<compile_context>
chip_gen: v7x
topology: tpu7x:2x2x1
jax: 0.10.2.dev20260603
libtpu: 0.0.44.dev20260713+nightly
codegen_flags: <defaults>
</compile_context>

<pallas_src>
import functools

import jax
import jax.numpy as jnp
from jax import lax
from jax.experimental import pallas as pl
from jax.experimental.pallas import tpu as pltpu
from jax.experimental.pallas import tpu_sc as plsc

N = 5000
B = 128
NB = 40
NPAD = NB * B
THR = 0.5

BS = 128
TB = NPAD // BS
UNROLL_T = 8

SC_NC = 2
SC_NS = 16
SC_L = 16
NW = SC_NC * SC_NS
CH = NPAD // NW
G_CH = CH // SC_L
G_ALL = NPAD // SC_L

_sc_mesh = plsc.VectorSubcoreMesh(core_axis_name="c", subcore_axis_name="s")


RB = 256
RNB = NPAD // RB


def _rank_body(scol, srow, rank_ref):
    jb = pl.program_id(0)
    sj = scol[...]
    jid = jb * RB + lax.broadcasted_iota(jnp.int32, (RB, 1), 0)

    def it(c, accs):
        a0, a1 = accs
        base = pl.multiple_of(c * 8, 8)
        tile = srow[pl.ds(base, 8), :]
        for k in range(8):
            t = c * 8 + k
            si = tile[k:k + 1, :]
            iid = t * B + lax.broadcasted_iota(jnp.int32, (1, B), 1)
            prec = (si > sj) | ((si == sj) & (iid < jid))
            if k % 2 == 0:
                a0 = a0 + prec.astype(jnp.float32)
            else:
                a1 = a1 + prec.astype(jnp.float32)
        return a0, a1

    z = jnp.zeros((RB, B), jnp.float32)
    a0, a1 = lax.fori_loop(0, NB // 8, it, (z, z))
    rank_ref[...] = jnp.sum(a0 + a1, axis=1, keepdims=True).astype(jnp.int32)


def _rank(scores_p):
    out = pl.pallas_call(
        _rank_body,
        grid=(RNB,),
        in_specs=[pl.BlockSpec((RB, 1), lambda b: (b, 0)),
                  pl.BlockSpec((NB, B), lambda b: (0, 0))],
        out_specs=pl.BlockSpec((RB, 1), lambda b: (b, 0)),
        out_shape=jax.ShapeDtypeStruct((NPAD, 1), jnp.int32),
    )(scores_p.reshape(NPAD, 1), scores_p.reshape(NB, B))
    return out.reshape(NPAD)


@functools.partial(
    pl.kernel,
    out_type=tuple(jax.ShapeDtypeStruct((NPAD,), jnp.float32)
                   for _ in range(4)),
    mesh=_sc_mesh,
    compiler_params=pltpu.CompilerParams(needs_layout_passes=False),
    scratch_types=[pltpu.VMEM((NPAD,), jnp.int32),
                   pltpu.VMEM((4 * N,), jnp.float32),
                   pltpu.VMEM((CH,), jnp.int32)]
    + [pltpu.VMEM((CH,), jnp.float32) for _ in range(4)],
)
def _permute_sc(rank_hbm, boxes_hbm,
                xs_hbm, ys_hbm, rs_hbm, bs_hbm,
                rank_v, bx_v,
                ord_v, xs_v, ys_v, rs_v, bs_v):
    wid = lax.axis_index("s") * SC_NC + lax.axis_index("c")
    lo = wid * CH
    pltpu.sync_copy(rank_hbm, rank_v)
    pltpu.sync_copy(boxes_hbm, bx_v)

    def scat(g, carry):
        idx = rank_v[pl.ds(g * SC_L, SC_L)]
        src = g * SC_L + lax.iota(jnp.int32, SC_L)
        m = (idx >= lo) & (idx < lo + CH)
        plsc.store_scatter(ord_v, [idx - lo], src, mask=m)
        return carry

    lax.fori_loop(0, G_ALL, scat, 0)

    def gat(g, carry):
        sl = pl.ds(g * SC_L, SC_L)
        o = ord_v[sl]
        m = o < N
        ob = o * 4
        far = jnp.full((SC_L,), 1.0e7, jnp.float32)
        far1 = far + 1.0
        xs_v[sl] = jnp.where(m, plsc.load_gather(bx_v, [ob], mask=m), far)
        ys_v[sl] = jnp.where(m, plsc.load_gather(bx_v, [ob + 1], mask=m), far)
        rs_v[sl] = jnp.where(m, plsc.load_gather(bx_v, [ob + 2], mask=m), far1)
        bs_v[sl] = jnp.where(m, plsc.load_gather(bx_v, [ob + 3], mask=m), far1)
        return carry

    lax.fori_loop(0, G_CH, gat, 0)
    pltpu.sync_copy(xs_v, xs_hbm.at[pl.ds(lo, CH)])
    pltpu.sync_copy(ys_v, ys_hbm.at[pl.ds(lo, CH)])
    pltpu.sync_copy(rs_v, rs_hbm.at[pl.ds(lo, CH)])
    pltpu.sync_copy(bs_v, bs_hbm.at[pl.ds(lo, CH)])


def _nms_body(xr, yr, rr, br, xc, yc, rc, bc, keep_ref):
    b = pl.program_id(0)

    @pl.when(b == 0)
    def _init():
        keep_ref[...] = jnp.ones((TB, BS), jnp.float32)

    xi = xc[...]
    yi = yc[...]
    ri1 = rc[...] + 1.0
    bi1 = bc[...] + 1.0
    ai = (ri1 - xi) * (bi1 - yi)

    def supp_mat(xj, yj, rj, bj):
        rj1 = rj + 1.0
        bj1 = bj + 1.0
        aj = (rj1 - xj) * (bj1 - yj)
        cw = jnp.minimum(ri1, rj1) - jnp.maximum(xi, xj)
        ch = jnp.minimum(bi1, bj1) - jnp.maximum(yi, yj)
        cross = jnp.maximum(cw, 0.0) * jnp.maximum(ch, 0.0)
        union = ai + aj - cross
        return (cross > THR * (union + 1e-6)).astype(jnp.float32)

    xj = xr[pl.ds(b, 1), :]
    yj = yr[pl.ds(b, 1), :]
    rj = rr[pl.ds(b, 1), :]
    bj = br[pl.ds(b, 1), :]
    s_bb = supp_mat(xj, yj, rj, bj)
    ii = lax.broadcasted_iota(jnp.int32, (BS, BS), 0)
    jj = lax.broadcasted_iota(jnp.int32, (BS, BS), 1)
    s_bb = s_bb * (ii < jj).astype(jnp.float32)

    init = keep_ref[pl.ds(b, 1), :]

    def cond(c):
        return c[1]

    def body(c):
        keep, _ = c
        cnt = lax.dot_general(keep, s_bb, (((1,), (0,)), ((), ())),
                              preferred_element_type=jnp.float32)
        knew = init * (cnt < 0.5).astype(jnp.float32)
        return knew, jnp.any(knew != keep)

    keep_b, _ = lax.while_loop(cond, body, (init, True))
    keep_ref[pl.ds(b, 1), :] = keep_b

    ident = (ii == jj).astype(jnp.float32)
    keep_col = lax.dot_general(ident, keep_b, (((1,), (1,)), ((), ())),
                               preferred_element_type=jnp.float32)

    def tailc(c, carry):
        base = pl.multiple_of(c * 8, 8)
        xt8 = xr[pl.ds(base, 8), :]
        yt8 = yr[pl.ds(base, 8), :]
        rt8 = rr[pl.ds(base, 8), :]
        bt8 = br[pl.ds(base, 8), :]
        old8 = keep_ref[pl.ds(base, 8), :]
        rows = []
        for k in range(8):
            t = c * 8 + k
            s_bt = supp_mat(xt8[k:k + 1, :], yt8[k:k + 1, :],
                            rt8[k:k + 1, :], bt8[k:k + 1, :])
            cnt = jnp.max(s_bt * keep_col, axis=0, keepdims=True)
            old = old8[k:k + 1, :]
            new = old * (cnt < 0.5).astype(jnp.float32)
            rows.append(jnp.where(t > b, new, old))
        keep_ref[pl.ds(base, 8), :] = jnp.concatenate(rows, axis=0)
        return carry

    lax.fori_loop((b + 1) // 8, TB // 8, tailc, 0)


def _nms_sorted(xs, ys, rs, bs):
    full = pl.BlockSpec((TB, BS), lambda b: (0, 0))
    col = pl.BlockSpec((BS, 1), lambda b: (b, 0))
    keep = pl.pallas_call(
        _nms_body,
        grid=(TB,),
        in_specs=[full, full, full, full, col, col, col, col],
        out_specs=pl.BlockSpec((TB, BS), lambda b: (0, 0)),
        out_shape=jax.ShapeDtypeStruct((TB, BS), jnp.float32),
    )(xs.reshape(TB, BS), ys.reshape(TB, BS), rs.reshape(TB, BS),
      bs.reshape(TB, BS), xs.reshape(NPAD, 1), ys.reshape(NPAD, 1),
      rs.reshape(NPAD, 1), bs.reshape(NPAD, 1))
    return keep.reshape(NPAD)


NT_FULL = N // CH
NREM = N - NT_FULL * CH


@functools.partial(
    pl.kernel,
    out_type=jax.ShapeDtypeStruct((N,), jnp.float32),
    mesh=_sc_mesh,
    compiler_params=pltpu.CompilerParams(needs_layout_passes=False),
    scratch_types=[pltpu.VMEM((NPAD,), jnp.float32),
                   pltpu.VMEM((CH,), jnp.int32),
                   pltpu.VMEM((CH,), jnp.float32),
                   pltpu.VMEM((CH,), jnp.float32)],
)
def _unpermute_sc(rank_hbm, keep_hbm, s_hbm, out_hbm, ks_v, rk_v, s_v, o_v):
    wid = lax.axis_index("s") * SC_NC + lax.axis_index("c")
    lo = wid * CH
    pltpu.sync_copy(keep_hbm, ks_v)
    pltpu.sync_copy(rank_hbm.at[pl.ds(lo, CH)], rk_v)
    pltpu.sync_copy(s_hbm.at[pl.ds(lo, CH)], s_v)

    def gat(g, carry):
        sl = pl.ds(g * SC_L, SC_L)
        idx = rk_v[sl]
        kv = plsc.load_gather(ks_v, [idx])
        o_v[sl] = s_v[sl] * kv
        return carry

    lax.fori_loop(0, G_CH, gat, 0)

    @pl.when(wid < NT_FULL)
    def _full():
        pltpu.sync_copy(o_v, out_hbm.at[pl.ds(lo, CH)])

    @pl.when(wid == NT_FULL)
    def _partial():
        pltpu.sync_copy(o_v.at[pl.ds(0, NREM)], out_hbm.at[pl.ds(lo, NREM)])


def kernel(boxes, scores):
    pad = NPAD - N
    scores_p = jnp.concatenate(
        [scores, jnp.full((pad,), -1.0, jnp.float32)])

    rank = _rank(scores_p)
    xs, ys, rs, bs = _permute_sc(rank, boxes.reshape(-1))
    keep_sorted = _nms_sorted(xs, ys, rs, bs)
    return _unpermute_sc(rank, keep_sorted, scores_p)

# --- scband reference (transcript-rebuilt; emitter-appended) ---
"""Pipeline reference for scband-mtcnn-41351945126363 (READ-ONLY COPY).

The authoritative reference and input builder live on the scoring server;
editing this copy changes nothing except your own understanding.
"""

import jax, jax.numpy as jnp
import numpy as np

N = 5000
IOU_THRESHOLD = 0.5


def setup_inputs(seed: int = 0) -> dict:
    key = jax.random.key(seed)
    k1, k2, k3 = jax.random.split(key, 3)
    # construct valid (x, y, r, b) boxes with r > x and b > y
    xy = jax.random.uniform(k1, (N, 2), dtype=jnp.float32) * 1000.0
    wh = jax.random.uniform(k2, (N, 2), dtype=jnp.float32) * 100.0 + 1.0
    boxes = jnp.concatenate([xy, xy + wh], axis=1)
    scores = jax.random.uniform(k3, (N,), dtype=jnp.float32)
    return {"boxes": boxes, "scores": scores}


def _pairwise_iou(boxes):
    # Faithful to BBox semantics: width = r - x + 1, height = b - y + 1,
    # cross = 0 if cross width/height <= 0, iou = cross / (union + 1e-6)
    x, y, r, b = boxes[:, 0], boxes[:, 1], boxes[:, 2], boxes[:, 3]
    w = r - x + 1.0
    h = b - y + 1.0
    area = w * h
    xmin = jnp.maximum(x[:, None], x[None, :])
    ymin = jnp.maximum(y[:, None], y[None, :])
    xmax = jnp.minimum(r[:, None], r[None, :])
    ymax = jnp.minimum(b[:, None], b[None, :])
    cw = xmax - xmin + 1.0
    ch = ymax - ymin + 1.0
    cross = jnp.where((cw > 0.0) & (ch > 0.0), cw * ch, 0.0)
    union = area[:, None] + area[None, :] - cross
    return cross / (union + 1e-6)


def reference(boxes, scores):
    n = boxes.shape[0]
    # sort by score descending (as in nms(): sorted(..., reverse=True))
    order = jnp.argsort(-scores)
    boxes_s = boxes[order]
    iou = _pairwise_iou(boxes_s)
    idx = jnp.arange(n)
    # greedy sequential suppression, identical to the reference nms loop
    def body(i, keep):
        suppress = (iou[i] > IOU_THRESHOLD) & keep[i] & (idx > i)
        return keep & (~suppress)
    keep_sorted = jax.lax.fori_loop(0, n, body, jnp.ones((n,), dtype=bool))
    # map keep mask back to original box order
    keep = jnp.zeros((n,), dtype=bool).at[order].set(keep_sorted)
    kept_scores = scores * keep.astype(scores.dtype)
    return kept_scores

if __name__ == "__main__":
    import jax
    _d = setup_inputs()
    print(jax.jit(kernel)(*tuple(_d.values())))

</pallas_src>

<mosaic_0001>
#map = affine_map<(d0, d1) -> (0)>
module attributes {stable_mosaic.version = 14 : i64} {
  func.func @_unpermute_sc(%arg0: i32, %arg1: i32, %arg2: memref<5120xi32, #tpu.memory_space<hbm>>, %arg3: memref<5120xf32, #tpu.memory_space<hbm>>, %arg4: memref<5120xf32, #tpu.memory_space<hbm>>, %arg5: memref<5000xf32, #tpu.memory_space<hbm>>, %arg6: memref<5120xf32, #tpu.memory_space<vmem>>, %arg7: memref<160xi32, #tpu.memory_space<vmem>>, %arg8: memref<160xf32, #tpu.memory_space<vmem>>, %arg9: memref<160xf32, #tpu.memory_space<vmem>>) attributes {dimension_semantics = [#tpu.dimension_semantics<core_parallel>, #tpu.dimension_semantics<subcore_parallel>], iteration_bounds = array<i64: 2, 16>, scalar_prefetch = 0 : i64, scratch_operands = 4 : i64, tpu.core_type = #tpu.core_type<sc_vector_subcore>, window_params = [{transform_indices = #map}, {transform_indices = #map}, {transform_indices = #map}, {transform_indices = #map}]} {
    %mul3A = arith.constant 2 : i32
    %mul3A_0 = arith.muli %arg1, %mul3A : i32
    %add3A = arith.addi %mul3A_0, %arg0 : i32
    %mul3A_1 = arith.constant 160 : i32
    %mul3A_2 = arith.muli %add3A, %mul3A_1 : i32
    "tpu.region"() ({
      %run_scoped3A = tpu.sem_alloc : memref<!tpu.dma_semaphore, #tpu.memory_space<semaphore_mem>>
      tpu.enqueue_dma source(%arg3 : memref<5120xf32, #tpu.memory_space<hbm>>) target(%arg6 : memref<5120xf32, #tpu.memory_space<vmem>>) target_semaphore(%run_scoped3A : memref<!tpu.dma_semaphore, #tpu.memory_space<semaphore_mem>>)
      tpu.wait_dma2 semaphore(%run_scoped3A : memref<!tpu.dma_semaphore, #tpu.memory_space<semaphore_mem>>) src(%arg3 : memref<5120xf32, #tpu.memory_space<hbm>>) dst(%arg6 : memref<5120xf32, #tpu.memory_space<vmem>>)
      tpu.yield
    }) : () -> ()
    "tpu.region"() ({
      %run_scoped3A = tpu.sem_alloc : memref<!tpu.dma_semaphore, #tpu.memory_space<semaphore_mem>>
      %dma_start3A = tpu.memref_slice %arg2[%mul3A_2] : memref<5120xi32, #tpu.memory_space<hbm>> -> memref<160xi32, #tpu.memory_space<hbm>>
      %dma_start3A_14 = tpu.memref_slice %arg2[%mul3A_2] : memref<5120xi32, #tpu.memory_space<hbm>> -> memref<160xi32, #tpu.memory_space<hbm>>
      tpu.enqueue_dma source(%dma_start3A_14 : memref<160xi32, #tpu.memory_space<hbm>>) target(%arg7 : memref<160xi32, #tpu.memory_space<vmem>>) target_semaphore(%run_scoped3A : memref<!tpu.dma_semaphore, #tpu.memory_space<semaphore_mem>>)
      %dma_wait3A = tpu.memref_slice %arg2[%mul3A_2] : memref<5120xi32, #tpu.memory_space<hbm>> -> memref<160xi32, #tpu.memory_space<hbm>>
      %dma_wait3A_15 = tpu.memref_slice %arg2[%mul3A_2] : memref<5120xi32, #tpu.memory_space<hbm>> -> memref<160xi32, #tpu.memory_space<hbm>>
      tpu.wait_dma2 semaphore(%run_scoped3A : memref<!tpu.dma_semaphore, #tpu.memory_space<semaphore_mem>>) src(%dma_wait3A_15 : memref<160xi32, #tpu.memory_space<hbm>>) dst(%arg7 : memref<160xi32, #tpu.memory_space<vmem>>)
      tpu.yield
    }) : () -> ()
    "tpu.region"() ({
      %run_scoped3A = tpu.sem_alloc : memref<!tpu.dma_semaphore, #tpu.memory_space<semaphore_mem>>
      %dma_start3A = tpu.memref_slice %arg4[%mul3A_2] : memref<5120xf32, #tpu.memory_space<hbm>> -> memref<160xf32, #tpu.memory_space<hbm>>
      %dma_start3A_14 = tpu.memref_slice %arg4[%mul3A_2] : memref<5120xf32, #tpu.memory_space<hbm>> -> memref<160xf32, #tpu.memory_space<hbm>>
      tpu.enqueue_dma source(%dma_start3A_14 : memref<160xf32, #tpu.memory_space<hbm>>) target(%arg8 : memref<160xf32, #tpu.memory_space<vmem>>) target_semaphore(%run_scoped3A : memref<!tpu.dma_semaphore, #tpu.memory_space<semaphore_mem>>)
      %dma_wait3A = tpu.memref_slice %arg4[%mul3A_2] : memref<5120xf32, #tpu.memory_space<hbm>> -> memref<160xf32, #tpu.memory_space<hbm>>
      %dma_wait3A_15 = tpu.memref_slice %arg4[%mul3A_2] : memref<5120xf32, #tpu.memory_space<hbm>> -> memref<160xf32, #tpu.memory_space<hbm>>
      tpu.wait_dma2 semaphore(%run_scoped3A : memref<!tpu.dma_semaphore, #tpu.memory_space<semaphore_mem>>) src(%dma_wait3A_15 : memref<160xf32, #tpu.memory_space<hbm>>) dst(%arg8 : memref<160xf32, #tpu.memory_space<vmem>>)
      tpu.yield
    }) : () -> ()
    %scan3A = arith.constant 0 : i32
    %scan3A_3 = arith.constant 0 : i32
    %scan3A_4 = arith.constant 10 : i32
    %scan3A_5 = arith.addi %scan3A_3, %scan3A_4 : i32
    %scan3A_6 = arith.constant 1 : i32
    scf.for %scan3A_14 = %scan3A_3 to %scan3A_5 step %scan3A_6  : i32 {
      %mul3A_15 = arith.constant 16 : i32
      %mul3A_16 = arith.muli %scan3A_14, %mul3A_15 : i32
      %get3A = arith.index_cast %mul3A_16 : i32 to index
      %get3A_17 = tpu.vector_load %arg7[%get3A] {strides = array<i32>} : memref<160xi32, #tpu.memory_space<vmem>>, vector<16xi32>,
      %gather3A = tpu.vector_load_idx %arg6[%get3A_17] : memref<5120xf32, #tpu.memory_space<vmem>>[vector<16xi32>], vector<16xf32>,
      %get3A_18 = arith.index_cast %mul3A_16 : i32 to index
      %get3A_19 = tpu.vector_load %arg8[%get3A_18] {strides = array<i32>} : memref<160xf32, #tpu.memory_space<vmem>>, vector<16xf32>,
      %mul3A_20 = arith.mulf %get3A_19, %gather3A : vector<16xf32>
      %swap3A = arith.index_cast %mul3A_16 : i32 to index
      %swap3A_21 = tpu.vector_load %arg9[%swap3A] {strides = array<i32>} : memref<160xf32, #tpu.memory_space<vmem>>, vector<16xf32>,
      tpu.vector_store %arg9[%swap3A], %mul3A_20 {strides = array<i32>} : memref<160xf32, #tpu.memory_space<vmem>>, vector<16xf32>,
    }
    %scan3A_7 = arith.constant 10 : i32
    %lt3A = arith.constant 31 : i32
    %lt3A_8 = arith.cmpi slt, %add3A, %lt3A : i32
    %convert_element_type3A = arith.extui %lt3A_8 : i1 to i32
    %cond3A = arith.constant 0 : i32
    %cond3A_9 = arith.cmpi ne, %convert_element_type3A, %cond3A : i32
    scf.if %cond3A_9 {
      "tpu.region"() ({
        %run_scoped3A = tpu.sem_alloc : memref<!tpu.dma_semaphore, #tpu.memory_space<semaphore_mem>>
        %dma_start3A = tpu.memref_slice %arg5[%mul3A_2] : memref<5000xf32, #tpu.memory_space<hbm>> -> memref<160xf32, #tpu.memory_space<hbm>>
        %dma_start3A_14 = tpu.memref_slice %arg5[%mul3A_2] : memref<5000xf32, #tpu.memory_space<hbm>> -> memref<160xf32, #tpu.memory_space<hbm>>
        tpu.enqueue_dma source(%arg9 : memref<160xf32, #tpu.memory_space<vmem>>) target(%dma_start3A_14 : memref<160xf32, #tpu.memory_space<hbm>>) target_semaphore(%run_scoped3A : memref<!tpu.dma_semaphore, #tpu.memory_space<semaphore_mem>>)
        %dma_wait3A = tpu.memref_slice %arg5[%mul3A_2] : memref<5000xf32, #tpu.memory_space<hbm>> -> memref<160xf32, #tpu.memory_space<hbm>>
        %dma_wait3A_15 = tpu.memref_slice %arg5[%mul3A_2] : memref<5000xf32, #tpu.memory_space<hbm>> -> memref<160xf32, #tpu.memory_space<hbm>>
        tpu.wait_dma2 semaphore(%run_scoped3A : memref<!tpu.dma_semaphore, #tpu.memory_space<semaphore_mem>>) src(%arg9 : memref<160xf32, #tpu.memory_space<vmem>>) dst(%dma_wait3A_15 : memref<160xf32, #tpu.memory_space<hbm>>)
        tpu.yield
      }) : () -> ()
    } else {
    }
    %eq3A = arith.constant 31 : i32
    %eq3A_10 = arith.cmpi eq, %add3A, %eq3A : i32
    %convert_element_type3A_11 = arith.extui %eq3A_10 : i1 to i32
    %cond3A_12 = arith.constant 0 : i32
    %cond3A_13 = arith.cmpi ne, %convert_element_type3A_11, %cond3A_12 : i32
    scf.if %cond3A_13 {
      "tpu.region"() ({
        %run_scoped3A = tpu.sem_alloc : memref<!tpu.dma_semaphore, #tpu.memory_space<semaphore_mem>>
        %dma_start3A = arith.constant 0 : i32
        %dma_start3A_14 = tpu.memref_slice %arg9[%dma_start3A] : memref<160xf32, #tpu.memory_space<vmem>> -> memref<40xf32, #tpu.memory_space<vmem>>
        %dma_start3A_15 = tpu.memref_slice %arg5[%mul3A_2] : memref<5000xf32, #tpu.memory_space<hbm>> -> memref<40xf32, #tpu.memory_space<hbm>>
        %dma_start3A_16 = tpu.memref_slice %arg5[%mul3A_2] : memref<5000xf32, #tpu.memory_space<hbm>> -> memref<40xf32, #tpu.memory_space<hbm>>
        %dma_start3A_17 = arith.constant 0 : i32
        %dma_start3A_18 = tpu.memref_slice %arg9[%dma_start3A_17] : memref<160xf32, #tpu.memory_space<vmem>> -> memref<40xf32, #tpu.memory_space<vmem>>
        tpu.enqueue_dma source(%dma_start3A_18 : memref<40xf32, #tpu.memory_space<vmem>>) target(%dma_start3A_16 : memref<40xf32, #tpu.memory_space<hbm>>) target_semaphore(%run_scoped3A : memref<!tpu.dma_semaphore, #tpu.memory_space<semaphore_mem>>)
        %dma_wait3A = arith.constant 0 : i32
        %dma_wait3A_19 = tpu.memref_slice %arg9[%dma_wait3A] : memref<160xf32, #tpu.memory_space<vmem>> -> memref<40xf32, #tpu.memory_space<vmem>>
        %dma_wait3A_20 = tpu.memref_slice %arg5[%mul3A_2] : memref<5000xf32, #tpu.memory_space<hbm>> -> memref<40xf32, #tpu.memory_space<hbm>>
        %dma_wait3A_21 = tpu.memref_slice %arg5[%mul3A_2] : memref<5000xf32, #tpu.memory_space<hbm>> -> memref<40xf32, #tpu.memory_space<hbm>>
        %dma_wait3A_22 = arith.constant 0 : i32
        %dma_wait3A_23 = tpu.memref_slice %arg9[%dma_wait3A_22] : memref<160xf32, #tpu.memory_space<vmem>> -> memref<40xf32, #tpu.memory_space<vmem>>
        tpu.wait_dma2 semaphore(%run_scoped3A : memref<!tpu.dma_semaphore, #tpu.memory_space<semaphore_mem>>) src(%dma_wait3A_23 : memref<40xf32, #tpu.memory_space<vmem>>) dst(%dma_wait3A_21 : memref<40xf32, #tpu.memory_space<hbm>>)
        tpu.yield
      }) : () -> ()
    } else {
    }
    return
  }
}

#map = affine_map<(d0, d1) -> (0)>
module attributes {stable_mosaic.version = 14 : i64} {
  func.func @_permute_sc(%arg0: i32, %arg1: i32, %arg2: memref<5120xi32, #tpu.memory_space<hbm>>, %arg3: memref<20000xf32, #tpu.memory_space<hbm>>, %arg4: memref<5120xf32, #tpu.memory_space<hbm>>, %arg5: memref<5120xf32, #tpu.memory_space<hbm>>, %arg6: memref<5120xf32, #tpu.memory_space<hbm>>, %arg7: memref<5120xf32, #tpu.memory_space<hbm>>, %arg8: memref<5120xi32, #tpu.memory_space<vmem>>, %arg9: memref<20000xf32, #tpu.memory_space<vmem>>, %arg10: memref<160xi32, #tpu.memory_space<vmem>>, %arg11: memref<160xf32, #tpu.memory_space<vmem>>, %arg12: memref<160xf32, #tpu.memory_space<vmem>>, %arg13: memref<160xf32, #tpu.memory_space<vmem>>, %arg14: memref<160xf32, #tpu.memory_space<vmem>>) attributes {dimension_semantics = [#tpu.dimension_semantics<core_parallel>, #tpu.dimension_semantics<subcore_parallel>], iteration_bounds = array<i64: 2, 16>, scalar_prefetch = 0 : i64, scratch_operands = 7 : i64, tpu.core_type = #tpu.core_type<sc_vector_subcore>, window_params = [{transform_indices = #map}, {transform_indices = #map}, {transform_indices = #map}, {transform_indices = #map}, {transform_indices = #map}, {transform_indices = #map}]} {
    %mul3A = arith.constant 2 : i32
    %mul3A_0 = arith.muli %arg1, %mul3A : i32
    %add3A = arith.addi %mul3A_0, %arg0 : i32
    %mul3A_1 = arith.constant 160 : i32
    %mul3A_2 = arith.muli %add3A, %mul3A_1 : i32
    "tpu.region"() ({
      %run_scoped3A = tpu.sem_alloc : memref<!tpu.dma_semaphore, #tpu.memory_space<semaphore_mem>>
      tpu.enqueue_dma source(%arg2 : memref<5120xi32, #tpu.memory_space<hbm>>) target(%arg8 : memref<5120xi32, #tpu.memory_space<vmem>>) target_semaphore(%run_scoped3A : memref<!tpu.dma_semaphore, #tpu.memory_space<semaphore_mem>>)
      tpu.wait_dma2 semaphore(%run_scoped3A : memref<!tpu.dma_semaphore, #tpu.memory_space<semaphore_mem>>) src(%arg2 : memref<5120xi32, #tpu.memory_space<hbm>>) dst(%arg8 : memref<5120xi32, #tpu.memory_space<vmem>>)
      tpu.yield
    }) : () -> ()
    "tpu.region"() ({
      %run_scoped3A = tpu.sem_alloc : memref<!tpu.dma_semaphore, #tpu.memory_space<semaphore_mem>>
      tpu.enqueue_dma source(%arg3 : memref<20000xf32, #tpu.memory_space<hbm>>) target(%arg9 : memref<20000xf32, #tpu.memory_space<vmem>>) target_semaphore(%run_scoped3A : memref<!tpu.dma_semaphore, #tpu.memory_space<semaphore_mem>>)
      tpu.wait_dma2 semaphore(%run_scoped3A : memref<!tpu.dma_semaphore, #tpu.memory_space<semaphore_mem>>) src(%arg3 : memref<20000xf32, #tpu.memory_space<hbm>>) dst(%arg9 : memref<20000xf32, #tpu.memory_space<vmem>>)
      tpu.yield
    }) : () -> ()
    %scan3A = arith.constant 0 : i32
    %scan3A_3 = arith.constant 0 : i32
    %scan3A_4 = arith.constant 320 : i32
    %scan3A_5 = arith.addi %scan3A_3, %scan3A_4 : i32
    %scan3A_6 = arith.constant 1 : i32
    scf.for %scan3A_14 = %scan3A_3 to %scan3A_5 step %scan3A_6  : i32 {
      %mul3A_15 = arith.constant 16 : i32
      %mul3A_16 = arith.muli %scan3A_14, %mul3A_15 : i32
      %get3A = arith.index_cast %mul3A_16 : i32 to index
      %get3A_17 = tpu.vector_load %arg8[%get3A] {strides = array<i32>} : memref<5120xi32, #tpu.memory_space<vmem>>, vector<16xi32>,
      %mul3A_18 = arith.constant 16 : i32
      %mul3A_19 = arith.muli %scan3A_14, %mul3A_18 : i32
      %iota3A = tpu.iota {dimensions = array<i32: 0>} : vector<16xi32>
      %add3A_20 = vector.broadcast %mul3A_19 : i32 to vector<16xi32>
      %add3A_21 = arith.addi %add3A_20, %iota3A : vector<16xi32>
      %ge3A = vector.broadcast %mul3A_2 : i32 to vector<16xi32>
      %ge3A_22 = arith.cmpi sge, %get3A_17, %ge3A : vector<16xi32>
      %add3A_23 = arith.constant 160 : i32
      %add3A_24 = arith.addi %mul3A_2, %add3A_23 : i32
      %lt3A = vector.broadcast %add3A_24 : i32 to vector<16xi32>
      %lt3A_25 = arith.cmpi slt, %get3A_17, %lt3A : vector<16xi32>
      %and3A = arith.andi %ge3A_22, %lt3A_25 : vector<16xi1>
      %sub3A = vector.broadcast %mul3A_2 : i32 to vector<16xi32>
      %sub3A_26 = arith.subi %get3A_17, %sub3A : vector<16xi32>
      tpu.vector_store_idx %arg10[%sub3A_26], %add3A_21 masked %and3A : memref<160xi32, #tpu.memory_space<vmem>>[vector<16xi32>], vector<16xi32>, vector<16xi1>
    }
    %scan3A_7 = arith.constant 320 : i32
    %scan3A_8 = arith.constant 0 : i32
    %scan3A_9 = arith.constant 0 : i32
    %scan3A_10 = arith.constant 10 : i32
    %scan3A_11 = arith.addi %scan3A_9, %scan3A_10 : i32
    %scan3A_12 = arith.constant 1 : i32
    scf.for %scan3A_14 = %scan3A_9 to %scan3A_11 step %scan3A_12  : i32 {
      %mul3A_15 = arith.constant 16 : i32
      %mul3A_16 = arith.muli %scan3A_14, %mul3A_15 : i32
      %get3A = arith.index_cast %mul3A_16 : i32 to index
      %get3A_17 = tpu.vector_load %arg10[%get3A] {strides = array<i32>} : memref<160xi32, #tpu.memory_space<vmem>>, vector<16xi32>,
      %lt3A = arith.constant 5000 : i32
      %lt3A_18 = vector.broadcast %lt3A : i32 to vector<16xi32>
      %lt3A_19 = arith.cmpi slt, %get3A_17, %lt3A_18 : vector<16xi32>
      %mul3A_20 = arith.constant 4 : i32
      %mul3A_21 = vector.broadcast %mul3A_20 : i32 to vector<16xi32>
      %mul3A_22 = arith.muli %get3A_17, %mul3A_21 : vector<16xi32>
      %broadcast_in_dim3A = arith.constant 1.000000e+07 : f32
      %broadcast_in_dim3A_23 = vector.broadcast %broadcast_in_dim3A : f32 to vector<16xf32>
      %add3A_24 = arith.constant 1.000000e+00 : f32
      %add3A_25 = vector.broadcast %add3A_24 : f32 to vector<16xf32>
      %add3A_26 = arith.addf %broadcast_in_dim3A_23, %add3A_25 : vector<16xf32>
      %gather3A = tpu.vector_load_idx %arg9[%mul3A_22] masked %lt3A_19 : memref<20000xf32, #tpu.memory_space<vmem>>[vector<16xi32>], vector<16xf32>, vector<16xi1>
      %select_n3A = arith.select %lt3A_19, %gather3A, %broadcast_in_dim3A_23 : vector<16xi1>, vector<16xf32>
      %swap3A = arith.index_cast %mul3A_16 : i32 to index
      %swap3A_27 = tpu.vector_load %arg11[%swap3A] {strides = array<i32>} : memref<160xf32, #tpu.memory_space<vmem>>, vector<16xf32>,
      tpu.vector_store %arg11[%swap3A], %select_n3A {strides = array<i32>} : memref<160xf32, #tpu.memory_space<vmem>>, vector<16xf32>,
      %add3A_28 = arith.constant 1 : i32
      %add3A_29 = vector.broadcast %add3A_28 : i32 to vector<16xi32>
      %add3A_30 = arith.addi %mul3A_22, %add3A_29 : vector<16xi32>
      %gather3A_31 = tpu.vector_load_idx %arg9[%add3A_30] masked %lt3A_19 : memref<20000xf32, #tpu.memory_space<vmem>>[vector<16xi32>], vector<16xf32>, vector<16xi1>
      %select_n3A_32 = arith.select %lt3A_19, %gather3A_31, %broadcast_in_dim3A_23 : vector<16xi1>, vector<16xf32>
      %swap3A_33 = arith.index_cast %mul3A_16 : i32 to index
      %swap3A_34 = tpu.vector_load %arg12[%swap3A_33] {strides = array<i32>} : memref<160xf32, #tpu.memory_space<vmem>>, vector<16xf32>,
      tpu.vector_store %arg12[%swap3A_33], %select_n3A_32 {strides = array<i32>} : memref<160xf32, #tpu.memory_space<vmem>>, vector<16xf32>,
      %add3A_35 = arith.constant 2 : i32
      %add3A_36 = vector.broadcast %add3A_35 : i32 to vector<16xi32>
      %add3A_37 = arith.addi %mul3A_22, %add3A_36 : vector<16xi32>
      %gather3A_38 = tpu.vector_load_idx %arg9[%add3A_37] masked %lt3A_19 : memref<20000xf32, #tpu.memory_space<vmem>>[vector<16xi32>], vector<16xf32>, vector<16xi1>
      %select_n3A_39 = arith.select %lt3A_19, %gather3A_38, %add3A_26 : vector<16xi1>, vector<16xf32>
      %swap3A_40 = arith.index_cast %mul3A_16 : i32 to index
      %swap3A_41 = tpu.vector_load %arg13[%swap3A_40] {strides = array<i32>} : memref<160xf32, #tpu.memory_space<vmem>>, vector<16xf32>,
      tpu.vector_store %arg13[%swap3A_40], %select_n3A_39 {strides = array<i32>} : memref<160xf32, #tpu.memory_space<vmem>>, vector<16xf32>,
      %add3A_42 = arith.constant 3 : i32
      %add3A_43 = vector.broadcast %add3A_42 : i32 to vector<16xi32>
      %add3A_44 = arith.addi %mul3A_22, %add3A_43 : vector<16xi32>
      %gather3A_45 = tpu.vector_load_idx %arg9[%add3A_44] masked %lt3A_19 : memref<20000xf32, #tpu.memory_space<vmem>>[vector<16xi32>], vector<16xf32>, vector<16xi1>
      %select_n3A_46 = arith.select %lt3A_19, %gather3A_45, %add3A_26 : vector<16xi1>, vector<16xf32>
      %swap3A_47 = arith.index_cast %mul3A_16 : i32 to index
      %swap3A_48 = tpu.vector_load %arg14[%swap3A_47] {strides = array<i32>} : memref<160xf32, #tpu.memory_space<vmem>>, vector<16xf32>,
      tpu.vector_store %arg14[%swap3A_47], %select_n3A_46 {strides = array<i32>} : memref<160xf32, #tpu.memory_space<vmem>>, vector<16xf32>,
    }
    %scan3A_13 = arith.constant 10 : i32
    "tpu.region"() ({
      %run_scoped3A = tpu.sem_alloc : memref<!tpu.dma_semaphore, #tpu.memory_space<semaphore_mem>>
      %dma_start3A = tpu.memref_slice %arg4[%mul3A_2] : memref<5120xf32, #tpu.memory_space<hbm>> -> memref<160xf32, #tpu.memory_space<hbm>>
      %dma_start3A_14 = tpu.memref_slice %arg4[%mul3A_2] : memref<5120xf32, #tpu.memory_space<hbm>> -> memref<160xf32, #tpu.memory_space<hbm>>
      tpu.enqueue_dma source(%arg11 : memref<160xf32, #tpu.memory_space<vmem>>) target(%dma_start3A_14 : memref<160xf32, #tpu.memory_space<hbm>>) target_semaphore(%run_scoped3A : memref<!tpu.dma_semaphore, #tpu.memory_space<semaphore_mem>>)
      %dma_wait3A = tpu.memref_slice %arg4[%mul3A_2] : memref<5120xf32, #tpu.memory_space<hbm>> -> memref<160xf32, #tpu.memory_space<hbm>>
      %dma_wait3A_15 = tpu.memref_slice %arg4[%mul3A_2] : memref<5120xf32, #tpu.memory_space<hbm>> -> memref<160xf32, #tpu.memory_space<hbm>>
      tpu.wait_dma2 semaphore(%run_scoped3A : memref<!tpu.dma_semaphore, #tpu.memory_space<semaphore_mem>>) src(%arg11 : memref<160xf32, #tpu.memory_space<vmem>>) dst(%dma_wait3A_15 : memref<160xf32, #tpu.memory_space<hbm>>)
      tpu.yield
    }) : () -> ()
    "tpu.region"() ({
      %run_scoped3A = tpu.sem_alloc : memref<!tpu.dma_semaphore, #tpu.memory_space<semaphore_mem>>
      %dma_start3A = tpu.memref_slice %arg5[%mul3A_2] : memref<5120xf32, #tpu.memory_space<hbm>> -> memref<160xf32, #tpu.memory_space<hbm>>
      %dma_start3A_14 = tpu.memref_slice %arg5[%mul3A_2] : memref<5120xf32, #tpu.memory_space<hbm>> -> memref<160xf32, #tpu.memory_space<hbm>>
      tpu.enqueue_dma source(%arg12 : memref<160xf32, #tpu.memory_space<vmem>>) target(%dma_start3A_14 : memref<160xf32, #tpu.memory_space<hbm>>) target_semaphore(%run_scoped3A : memref<!tpu.dma_semaphore, #tpu.memory_space<semaphore_mem>>)
      %dma_wait3A = tpu.memref_slice %arg5[%mul3A_2] : memref<5120xf32, #tpu.memory_space<hbm>> -> memref<160xf32, #tpu.memory_space<hbm>>
      %dma_wait3A_15 = tpu.memref_slice %arg5[%mul3A_2] : memref<5120xf32, #tpu.memory_space<hbm>> -> memref<160xf32, #tpu.memory_space<hbm>>
      tpu.wait_dma2 semaphore(%run_scoped3A : memref<!tpu.dma_semaphore, #tpu.memory_space<semaphore_mem>>) src(%arg12 : memref<160xf32, #tpu.memory_space<vmem>>) dst(%dma_wait3A_15 : memref<160xf32, #tpu.memory_space<hbm>>)
      tpu.yield
    }) : () -> ()
    "tpu.region"() ({
      %run_scoped3A = tpu.sem_alloc : memref<!tpu.dma_semaphore, #tpu.memory_space<semaphore_mem>>
      %dma_start3A = tpu.memref_slice %arg6[%mul3A_2] : memref<5120xf32, #tpu.memory_space<hbm>> -> memref<160xf32, #tpu.memory_space<hbm>>
      %dma_start3A_14 = tpu.memref_slice %arg6[%mul3A_2] : memref<5120xf32, #tpu.memory_space<hbm>> -> memref<160xf32, #tpu.memory_space<hbm>>
      tpu.enqueue_dma source(%arg13 : memref<160xf32, #tpu.memory_space<vmem>>) target(%dma_start3A_14 : memref<160xf32, #tpu.memory_space<hbm>>) target_semaphore(%run_scoped3A : memref<!tpu.dma_semaphore, #tpu.memory_space<semaphore_mem>>)
      %dma_wait3A = tpu.memref_slice %arg6[%mul3A_2] : memref<5120xf32, #tpu.memory_space<hbm>> -> memref<160xf32, #tpu.memory_space<hbm>>
      %dma_wait3A_15 = tpu.memref_slice %arg6[%mul3A_2] : memref<5120xf32, #tpu.memory_space<hbm>> -> memref<160xf32, #tpu.memory_space<hbm>>
      tpu.wait_dma2 semaphore(%run_scoped3A : memref<!tpu.dma_semaphore, #tpu.memory_space<semaphore_mem>>) src(%arg13 : memref<160xf32, #tpu.memory_space<vmem>>) dst(%dma_wait3A_15 : memref<160xf32, #tpu.memory_space<hbm>>)
      tpu.yield
    }) : () -> ()
    "tpu.region"() ({
      %run_scoped3A = tpu.sem_alloc : memref<!tpu.dma_semaphore, #tpu.memory_space<semaphore_mem>>
      %dma_start3A = tpu.memref_slice %arg7[%mul3A_2] : memref<5120xf32, #tpu.memory_space<hbm>> -> memref<160xf32, #tpu.memory_space<hbm>>
      %dma_start3A_14 = tpu.memref_slice %arg7[%mul3A_2] : memref<5120xf32, #tpu.memory_space<hbm>> -> memref<160xf32, #tpu.memory_space<hbm>>
      tpu.enqueue_dma source(%arg14 : memref<160xf32, #tpu.memory_space<vmem>>) target(%dma_start3A_14 : memref<160xf32, #tpu.memory_space<hbm>>) target_semaphore(%run_scoped3A : memref<!tpu.dma_semaphore, #tpu.memory_space<semaphore_mem>>)
      %dma_wait3A = tpu.memref_slice %arg7[%mul3A_2] : memref<5120xf32, #tpu.memory_space<hbm>> -> memref<160xf32, #tpu.memory_space<hbm>>
      %dma_wait3A_15 = tpu.memref_slice %arg7[%mul3A_2] : memref<5120xf32, #tpu.memory_space<hbm>> -> memref<160xf32, #tpu.memory_space<hbm>>
      tpu.wait_dma2 semaphore(%run_scoped3A : memref<!tpu.dma_semaphore, #tpu.memory_space<semaphore_mem>>) src(%arg14 : memref<160xf32, #tpu.memory_space<vmem>>) dst(%dma_wait3A_15 : memref<160xf32, #tpu.memory_space<hbm>>)
      tpu.yield
    }) : () -> ()
    return
  }
}

module attributes {stable_mosaic.version = 14 : i64} {
  func.func @_rank_body(%arg0: i32, %arg1: memref<256x1xf32, #tpu.memory_space<vmem>>, %arg2: memref<40x128xf32, #tpu.memory_space<vmem>>, %arg3: memref<256x1xi32, #tpu.memory_space<vmem>>) attributes {dimension_semantics = [#tpu.dimension_semantics<arbitrary>], iteration_bounds = array<i64: 20>, scalar_prefetch = 0 : i64, scratch_operands = 0 : i64, tpu.core_type = #tpu.core_type<tc>, window_params = [{transform_indices = @transform_0, window_bounds = array<i64: 256, 1>}, {pipeline_mode = #tpu.pipeline_mode<synchronous>, transform_indices = @transform_1, window_bounds = array<i64: 40, 128>}, {transform_indices = @transform_2, window_bounds = array<i64: 256, 1>}]} {
    %get3A = arith.constant 0 : index
    %get3A_0 = arith.constant 0 : index
    %get3A_1 = vector.load %arg1[%get3A, %get3A_0] : memref<256x1xf32, #tpu.memory_space<vmem>>, vector<256x1xf32>
    %mul3A = arith.constant 256 : i32
    %mul3A_2 = arith.muli %arg0, %mul3A : i32
    %iota3A = tpu.iota {dimensions = array<i32: 0>} : vector<256x1xi32>
    %add3A = vector.broadcast %mul3A_2 : i32 to vector<256x1xi32>
    %add3A_3 = arith.addi %add3A, %iota3A : vector<256x1xi32>
    %broadcast_in_dim3A = arith.constant 0.000000e+00 : f32
    %broadcast_in_dim3A_4 = vector.broadcast %broadcast_in_dim3A : f32 to vector<256x128xf32>
    %scan3A = arith.constant 0 : i32
    %scan3A_5 = arith.constant 5 : i32
    %scan3A_6 = arith.addi %scan3A, %scan3A_5 : i32
    %scan3A_7 = arith.constant 1 : i32
    %scan3A_8:2 = scf.for %scan3A_15 = %scan3A to %scan3A_6 step %scan3A_7 iter_args(%scan3A_16 = %broadcast_in_dim3A_4, %scan3A_17 = %broadcast_in_dim3A_4) -> (vector<256x128xf32>, vector<256x128xf32>)  : i32 {
      %mul3A_18 = arith.constant 8 : i32
      %mul3A_19 = arith.muli %scan3A_15, %mul3A_18 : i32
      %multiple_of3A = tpu.assume_multiple %mul3A_19, 8 : i32
      %get3A_20 = arith.index_cast %multiple_of3A : i32 to index
      %get3A_21 = arith.constant 0 : index
      %get3A_22 = vector.load %arg2[%get3A_20, %get3A_21] : memref<40x128xf32, #tpu.memory_space<vmem>>, vector<8x128xf32>
      %mul3A_23 = arith.constant 8 : i32
      %mul3A_24 = arith.muli %scan3A_15, %mul3A_23 : i32
      %add3A_25 = arith.constant 0 : i32
      %add3A_26 = arith.addi %mul3A_24, %add3A_25 : i32
      %slice3A = vector.extract_strided_slice %get3A_22 {offsets = [0, 0], sizes = [1, 128], strides = [1, 1]} : vector<8x128xf32> to vector<1x128xf32>
      %mul3A_27 = arith.constant 128 : i32
      %mul3A_28 = arith.muli %add3A_26, %mul3A_27 : i32
      %iota3A_29 = tpu.iota {dimensions = array<i32: 1>} : vector<1x128xi32>
      %add3A_30 = vector.broadcast %mul3A_28 : i32 to vector<1x128xi32>
      %add3A_31 = arith.addi %add3A_30, %iota3A_29 : vector<1x128xi32>
      %gt3A = vector.broadcast %slice3A : vector<1x128xf32> to vector<256x128xf32>
      %gt3A_32 = vector.broadcast %get3A_1 : vector<256x1xf32> to vector<256x128xf32>
      %gt3A_33 = arith.cmpf ogt, %gt3A, %gt3A_32 : vector<256x128xf32>
      %eq3A = vector.broadcast %slice3A : vector<1x128xf32> to vector<256x128xf32>
      %eq3A_34 = vector.broadcast %get3A_1 : vector<256x1xf32> to vector<256x128xf32>
      %eq3A_35 = arith.cmpf oeq, %eq3A, %eq3A_34 : vector<256x128xf32>
      %lt3A = vector.broadcast %add3A_31 : vector<1x128xi32> to vector<256x128xi32>
      %lt3A_36 = vector.broadcast %add3A_3 : vector<256x1xi32> to vector<256x128xi32>
      %lt3A_37 = arith.cmpi slt, %lt3A, %lt3A_36 : vector<256x128xi32>
      %and3A = arith.andi %eq3A_35, %lt3A_37 : vector<256x128xi1>
      %or3A = arith.ori %gt3A_33, %and3A : vector<256x128xi1>
      %convert_element_type3A_38 = arith.extui %or3A : vector<256x128xi1> to vector<256x128xi32>
      %convert_element_type3A_39 = arith.sitofp %convert_element_type3A_38 : vector<256x128xi32> to vector<256x128xf32>
      %add3A_40 = arith.addf %scan3A_16, %convert_element_type3A_39 : vector<256x128xf32>
      %mul3A_41 = arith.constant 8 : i32
      %mul3A_42 = arith.muli %scan3A_15, %mul3A_41 : i32
      %add3A_43 = arith.constant 1 : i32
      %add3A_44 = arith.addi %mul3A_42, %add3A_43 : i32
      %slice3A_45 = vector.extract_strided_slice %get3A_22 {offsets = [1, 0], sizes = [1, 128], strides = [1, 1]} : vector<8x128xf32> to vector<1x128xf32>
      %mul3A_46 = arith.constant 128 : i32
      %mul3A_47 = arith.muli %add3A_44, %mul3A_46 : i32
      %iota3A_48 = tpu.iota {dimensions = array<i32: 1>} : vector<1x128xi32>
      %add3A_49 = vector.broadcast %mul3A_47 : i32 to vector<1x128xi32>
      %add3A_50 = arith.addi %add3A_49, %iota3A_48 : vector<1x128xi32>
      %gt3A_51 = vector.broadcast %slice3A_45 : vector<1x128xf32> to vector<256x128xf32>
      %gt3A_52 = vector.broadcast %get3A_1 : vector<256x1xf32> to vector<256x128xf32>
      %gt3A_53 = arith.cmpf ogt, %gt3A_51, %gt3A_52 : vector<256x128xf32>
      %eq3A_54 = vector.broadcast %slice3A_45 : vector<1x128xf32> to vector<256x128xf32>
      %eq3A_55 = vector.broadcast %get3A_1 : vector<256x1xf32> to vector<256x128xf32>
      %eq3A_56 = arith.cmpf oeq, %eq3A_54, %eq3A_55 : vector<256x128xf32>
      %lt3A_57 = vector.broadcast %add3A_50 : vector<1x128xi32> to vector<256x128xi32>
      %lt3A_58 = vector.broadcast %add3A_3 : vector<256x1xi32> to vector<256x128xi32>
      %lt3A_59 = arith.cmpi slt, %lt3A_57, %lt3A_58 : vector<256x128xi32>
      %and3A_60 = arith.andi %eq3A_56, %lt3A_59 : vector<256x128xi1>
      %or3A_61 = arith.ori %gt3A_53, %and3A_60 : vector<256x128xi1>
      %convert_element_type3A_62 = arith.extui %or3A_61 : vector<256x128xi1> to vector<256x128xi32>
      %convert_element_type3A_63 = arith.sitofp %convert_element_type3A_62 : vector<256x128xi32> to vector<256x128xf32>
      %add3A_64 = arith.addf %scan3A_17, %convert_element_type3A_63 : vector<256x128xf32>
      %mul3A_65 = arith.constant 8 : i32
      %mul3A_66 = arith.muli %scan3A_15, %mul3A_65 : i32
      %add3A_67 = arith.constant 2 : i32
      %add3A_68 = arith.addi %mul3A_66, %add3A_67 : i32
      %slice3A_69 = vector.extract_strided_slice %get3A_22 {offsets = [2, 0], sizes = [1, 128], strides = [1, 1]} : vector<8x128xf32> to vector<1x128xf32>
      %mul3A_70 = arith.constant 128 : i32
      %mul3A_71 = arith.muli %add3A_68, %mul3A_70 : i32
      %iota3A_72 = tpu.iota {dimensions = array<i32: 1>} : vector<1x128xi32>
      %add3A_73 = vector.broadcast %mul3A_71 : i32 to vector<1x128xi32>
      %add3A_74 = arith.addi %add3A_73, %iota3A_72 : vector<1x128xi32>
      %gt3A_75 = vector.broadcast %slice3A_69 : vector<1x128xf32> to vector<256x128xf32>
      %gt3A_76 = vector.broadcast %get3A_1 : vector<256x1xf32> to vector<256x128xf32>
      %gt3A_77 = arith.cmpf ogt, %gt3A_75, %gt3A_76 : vector<256x128xf32>
      %eq3A_78 = vector.broadcast %slice3A_69 : vector<1x128xf32> to vector<256x128xf32>
      %eq3A_79 = vector.broadcast %get3A_1 : vector<256x1xf32> to vector<256x128xf32>
      %eq3A_80 = arith.cmpf oeq, %eq3A_78, %eq3A_79 : vector<256x128xf32>
      %lt3A_81 = vector.broadcast %add3A_74 : vector<1x128xi32> to vector<256x128xi32>
      %lt3A_82 = vector.broadcast %add3A_3 : vector<256x1xi32> to vector<256x128xi32>
      %lt3A_83 = arith.cmpi slt, %lt3A_81, %lt3A_82 : vector<256x128xi32>
      %and3A_84 = arith.andi %eq3A_80, %lt3A_83 : vector<256x128xi1>
      %or3A_85 = arith.ori %gt3A_77, %and3A_84 : vector<256x128xi1>
      %convert_element_type3A_86 = arith.extui %or3A_85 : vector<256x128xi1> to vector<256x128xi32>
      %convert_element_type3A_87 = arith.sitofp %convert_element_type3A_86 : vector<256x128xi32> to vector<256x128xf32>
      %add3A_88 = arith.addf %add3A_40, %convert_element_type3A_87 : vector<256x128xf32>
      %mul3A_89 = arith.constant 8 : i32
      %mul3A_90 = arith.muli %scan3A_15, %mul3A_89 : i32
      %add3A_91 = arith.constant 3 : i32
      %add3A_92 = arith.addi %mul3A_90, %add3A_91 : i32
      %slice3A_93 = vector.extract_strided_slice %get3A_22 {offsets = [3, 0], sizes = [1, 128], strides = [1, 1]} : vector<8x128xf32> to vector<1x128xf32>
      %mul3A_94 = arith.constant 128 : i32
      %mul3A_95 = arith.muli %add3A_92, %mul3A_94 : i32
      %iota3A_96 = tpu.iota {dimensions = array<i32: 1>} : vector<1x128xi32>
      %add3A_97 = vector.broadcast %mul3A_95 : i32 to vector<1x128xi32>
      %add3A_98 = arith.addi %add3A_97, %iota3A_96 : vector<1x128xi32>
      %gt3A_99 = vector.broadcast %slice3A_93 : vector<1x128xf32> to vector<256x128xf32>
      %gt3A_100 = vector.broadcast %get3A_1 : vector<256x1xf32> to vector<256x128xf32>
      %gt3A_101 = arith.cmpf ogt, %gt3A_99, %gt3A_100 : vector<256x128xf32>
      %eq3A_102 = vector.broadcast %slice3A_93 : vector<1x128xf32> to vector<256x128xf32>
      %eq3A_103 = vector.broadcast %get3A_1 : vector<256x1xf32> to vector<256x128xf32>
      %eq3A_104 = arith.cmpf oeq, %eq3A_102, %eq3A_103 : vector<256x128xf32>
      %lt3A_105 = vector.broadcast %add3A_98 : vector<1x128xi32> to vector<256x128xi32>
      %lt3A_106 = vector.broadcast %add3A_3 : vector<256x1xi32> to vector<256x128xi32>
      %lt3A_107 = arith.cmpi slt, %lt3A_105, %lt3A_106 : vector<256x128xi32>
      %and3A_108 = arith.andi %eq3A_104, %lt3A_107 : vector<256x128xi1>
      %or3A_109 = arith.ori %gt3A_101, %and3A_108 : vector<256x128xi1>
      %convert_element_type3A_110 = arith.extui %or3A_109 : vector<256x128xi1> to vector<256x128xi32>
      %convert_element_type3A_111 = arith.sitofp %convert_element_type3A_110 : vector<256x128xi32> to vector<256x128xf32>
      %add3A_112 = arith.addf %add3A_64, %convert_element_type3A_111 : vector<256x128xf32>
      %mul3A_113 = arith.constant 8 : i32
      %mul3A_114 = arith.muli %scan3A_15, %mul3A_113 : i32
      %add3A_115 = arith.constant 4 : i32
      %add3A_116 = arith.addi %mul3A_114, %add3A_115 : i32
      %slice3A_117 = vector.extract_strided_slice %get3A_22 {offsets = [4, 0], sizes = [1, 128], strides = [1, 1]} : vector<8x128xf32> to vector<1x128xf32>
      %mul3A_118 = arith.constant 128 : i32
      %mul3A_119 = arith.muli %add3A_116, %mul3A_118 : i32
      %iota3A_120 = tpu.iota {dimensions = array<i32: 1>} : vector<1x128xi32>
      %add3A_121 = vector.broadcast %mul3A_119 : i32 to vector<1x128xi32>
      %add3A_122 = arith.addi %add3A_121, %iota3A_120 : vector<1x128xi32>
      %gt3A_123 = vector.broadcast %slice3A_117 : vector<1x128xf32> to vector<256x128xf32>
      %gt3A_124 = vector.broadcast %get3A_1 : vector<256x1xf32> to vector<256x128xf32>
      %gt3A_125 = arith.cmpf ogt, %gt3A_123, %gt3A_124 : vector<256x128xf32>
      %eq3A_126 = vector.broadcast %slice3A_117 : vector<1x128xf32> to vector<256x128xf32>
      %eq3A_127 = vector.broadcast %get3A_1 : vector<256x1xf32> to vector<256x128xf32>
      %eq3A_128 = arith.cmpf oeq, %eq3A_126, %eq3A_127 : vector<256x128xf32>
      %lt3A_129 = vector.broadcast %add3A_122 : vector<1x128xi32> to vector<256x128xi32>
      %lt3A_130 = vector.broadcast %add3A_3 : vector<256x1xi32> to vector<256x128xi32>
      %lt3A_131 = arith.cmpi slt, %lt3A_129, %lt3A_130 : vector<256x128xi32>
      %and3A_132 = arith.andi %eq3A_128, %lt3A_131 : vector<256x128xi1>
      %or3A_133 = arith.ori %gt3A_125, %and3A_132 : vector<256x128xi1>
      %convert_element_type3A_134 = arith.extui %or3A_133 : vector<256x128xi1> to vector<256x128xi32>
      %convert_element_type3A_135 = arith.sitofp %convert_element_type3A_134 : vector<256x128xi32> to vector<256x128xf32>
      %add3A_136 = arith.addf %add3A_88, %convert_element_type3A_135 : vector<256x128xf32>
      %mul3A_137 = arith.constant 8 : i32
      %mul3A_138 = arith.muli %scan3A_15, %mul3A_137 : i32
      %add3A_139 = arith.constant 5 : i32
      %add3A_140 = arith.addi %mul3A_138, %add3A_139 : i32
      %slice3A_141 = vector.extract_strided_slice %get3A_22 {offsets = [5, 0], sizes = [1, 128], strides = [1, 1]} : vector<8x128xf32> to vector<1x128xf32>
      %mul3A_142 = arith.constant 128 : i32
      %mul3A_143 = arith.muli %add3A_140, %mul3A_142 : i32
      %iota3A_144 = tpu.iota {dimensions = array<i32: 1>} : vector<1x128xi32>
      %add3A_145 = vector.broadcast %mul3A_143 : i32 to vector<1x128xi32>
      %add3A_146 = arith.addi %add3A_145, %iota3A_144 : vector<1x128xi32>
      %gt3A_147 = vector.broadcast %slice3A_141 : vector<1x128xf32> to vector<256x128xf32>
      %gt3A_148 = vector.broadcast %get3A_1 : vector<256x1xf32> to vector<256x128xf32>
      %gt3A_149 = arith.cmpf ogt, %gt3A_147, %gt3A_148 : vector<256x128xf32>
      %eq3A_150 = vector.broadcast %slice3A_141 : vector<1x128xf32> to vector<256x128xf32>
      %eq3A_151 = vector.broadcast %get3A_1 : vector<256x1xf32> to vector<256x128xf32>
      %eq3A_152 = arith.cmpf oeq, %eq3A_150, %eq3A_151 : vector<256x128xf32>
      %lt3A_153 = vector.broadcast %add3A_146 : vector<1x128xi32> to vector<256x128xi32>
      %lt3A_154 = vector.broadcast %add3A_3 : vector<256x1xi32> to vector<256x128xi32>
      %lt3A_155 = arith.cmpi slt, %lt3A_153, %lt3A_154 : vector<256x128xi32>
      %and3A_156 = arith.andi %eq3A_152, %lt3A_155 : vector<256x128xi1>
      %or3A_157 = arith.ori %gt3A_149, %and3A_156 : vector<256x128xi1>
      %convert_element_type3A_158 = arith.extui %or3A_157 : vector<256x128xi1> to vector<256x128xi32>
      %convert_element_type3A_159 = arith.sitofp %convert_element_type3A_158 : vector<256x128xi32> to vector<256x128xf32>
      %add3A_160 = arith.addf %add3A_112, %convert_element_type3A_159 : vector<256x128xf32>
      %mul3A_161 = arith.constant 8 : i32
      %mul3A_162 = arith.muli %scan3A_15, %mul3A_161 : i32
      %add3A_163 = arith.constant 6 : i32
      %add3A_164 = arith.addi %mul3A_162, %add3A_163 : i32
      %slice3A_165 = vector.extract_strided_slice %get3A_22 {offsets = [6, 0], sizes = [1, 128], strides = [1, 1]} : vector<8x128xf32> to vector<1x128xf32>
      %mul3A_166 = arith.constant 128 : i32
      %mul3A_167 = arith.muli %add3A_164, %mul3A_166 : i32
      %iota3A_168 = tpu.iota {dimensions = array<i32: 1>} : vector<1x128xi32>
      %add3A_169 = vector.broadcast %mul3A_167 : i32 to vector<1x128xi32>
      %add3A_170 = arith.addi %add3A_169, %iota3A_168 : vector<1x128xi32>
      %gt3A_171 = vector.broadcast %slice3A_165 : vector<1x128xf32> to vector<256x128xf32>
      %gt3A_172 = vector.broadcast %get3A_1 : vector<256x1xf32> to vector<256x128xf32>
      %gt3A_173 = arith.cmpf ogt, %gt3A_171, %gt3A_172 : vector<256x128xf32>
      %eq3A_174 = vector.broadcast %slice3A_165 : vector<1x128xf32> to vector<256x128xf32>
      %eq3A_175 = vector.broadcast %get3A_1 : vector<256x1xf32> to vector<256x128xf32>
      %eq3A_176 = arith.cmpf oeq, %eq3A_174, %eq3A_175 : vector<256x128xf32>
      %lt3A_177 = vector.broadcast %add3A_170 : vector<1x128xi32> to vector<256x128xi32>
      %lt3A_178 = vector.broadcast %add3A_3 : vector<256x1xi32> to vector<256x128xi32>
      %lt3A_179 = arith.cmpi slt, %lt3A_177, %lt3A_178 : vector<256x128xi32>
      %and3A_180 = arith.andi %eq3A_176, %lt3A_179 : vector<256x128xi1>
      %or3A_181 = arith.ori %gt3A_173, %and3A_180 : vector<256x128xi1>
      %convert_element_type3A_182 = arith.extui %or3A_181 : vector<256x128xi1> to vector<256x128xi32>
      %convert_element_type3A_183 = arith.sitofp %convert_element_type3A_182 : vector<256x128xi32> to vector<256x128xf32>
      %add3A_184 = arith.addf %add3A_136, %convert_element_type3A_183 : vector<256x128xf32>
      %mul3A_185 = arith.constant 8 : i32
      %mul3A_186 = arith.muli %scan3A_15, %mul3A_185 : i32
      %add3A_187 = arith.constant 7 : i32
      %add3A_188 = arith.addi %mul3A_186, %add3A_187 : i32
      %slice3A_189 = vector.extract_strided_slice %get3A_22 {offsets = [7, 0], sizes = [1, 128], strides = [1, 1]} : vector<8x128xf32> to vector<1x128xf32>
      %mul3A_190 = arith.constant 128 : i32
      %mul3A_191 = arith.muli %add3A_188, %mul3A_190 : i32
      %iota3A_192 = tpu.iota {dimensions = array<i32: 1>} : vector<1x128xi32>
      %add3A_193 = vector.broadcast %mul3A_191 : i32 to vector<1x128xi32>
      %add3A_194 = arith.addi %add3A_193, %iota3A_192 : vector<1x128xi32>
      %gt3A_195 = vector.broadcast %slice3A_189 : vector<1x128xf32> to vector<256x128xf32>
      %gt3A_196 = vector.broadcast %get3A_1 : vector<256x1xf32> to vector<256x128xf32>
      %gt3A_197 = arith.cmpf ogt, %gt3A_195, %gt3A_196 : vector<256x128xf32>
      %eq3A_198 = vector.broadcast %slice3A_189 : vector<1x128xf32> to vector<256x128xf32>
      %eq3A_199 = vector.broadcast %get3A_1 : vector<256x1xf32> to vector<256x128xf32>
      %eq3A_200 = arith.cmpf oeq, %eq3A_198, %eq3A_199 : vector<256x128xf32>
      %lt3A_201 = vector.broadcast %add3A_194 : vector<1x128xi32> to vector<256x128xi32>
      %lt3A_202 = vector.broadcast %add3A_3 : vector<256x1xi32> to vector<256x128xi32>
      %lt3A_203 = arith.cmpi slt, %lt3A_201, %lt3A_202 : vector<256x128xi32>
      %and3A_204 = arith.andi %eq3A_200, %lt3A_203 : vector<256x128xi1>
      %or3A_205 = arith.ori %gt3A_197, %and3A_204 : vector<256x128xi1>
      %convert_element_type3A_206 = arith.extui %or3A_205 : vector<256x128xi1> to vector<256x128xi32>
      %convert_element_type3A_207 = arith.sitofp %convert_element_type3A_206 : vector<256x128xi32> to vector<256x128xf32>
      %add3A_208 = arith.addf %add3A_160, %convert_element_type3A_207 : vector<256x128xf32>
      scf.yield %add3A_184, %add3A_208 : vector<256x128xf32>, vector<256x128xf32>
    }
    %scan3A_9 = arith.constant 5 : i32
    %add3A_10 = arith.addf %scan3A_8#0, %scan3A_8#1 : vector<256x128xf32>
    %reduce_sum3A = arith.constant dense<0.000000e+00> : vector<256xf32>
    %reduce_sum3A_11 = vector.multi_reduction <add>, %add3A_10, %reduce_sum3A [1] : vector<256x128xf32> to vector<256xf32>
    %broadcast_in_dim3A_12 = vector.shape_cast %reduce_sum3A_11 : vector<256xf32> to vector<256x1xf32>
    %convert_element_type3A = arith.fptosi %broadcast_in_dim3A_12 : vector<256x1xf32> to vector<256x1xi32>
    %swap3A = arith.constant 0 : index
    %swap3A_13 = arith.constant 0 : index
    %swap3A_14 = vector.load %arg3[%swap3A, %swap3A_13] : memref<256x1xi32, #tpu.memory_space<vmem>>, vector<256x1xi32>
    tpu.vector_store %arg3[%swap3A, %swap3A_13], %convert_element_type3A {strides = array<i32>} : memref<256x1xi32, #tpu.memory_space<vmem>>, vector<256x1xi32>,
    return
  }
  func.func @transform_0(%arg0: i32) -> (i32, i32) {
    %c0_i32 = arith.constant 0 : i32
    %c0_i32_0 = arith.constant 0 : i32
    return %arg0, %c0_i32 : i32, i32
  }
  func.func @transform_1(%arg0: i32) -> (i32, i32) {
    %c0_i32 = arith.constant 0 : i32
    %c0_i32_0 = arith.constant 0 : i32
    %c0_i32_1 = arith.constant 0 : i32
    return %c0_i32, %c0_i32_0 : i32, i32
  }
  func.func @transform_2(%arg0: i32) -> (i32, i32) {
    %c0_i32 = arith.constant 0 : i32
    %c0_i32_0 = arith.constant 0 : i32
    return %arg0, %c0_i32 : i32, i32
  }
}

module attributes {stable_mosaic.version = 14 : i64} {
  func.func @_nms_body(%arg0: i32, %arg1: memref<40x128xf32, #tpu.memory_space<vmem>>, %arg2: memref<40x128xf32, #tpu.memory_space<vmem>>, %arg3: memref<40x128xf32, #tpu.memory_space<vmem>>, %arg4: memref<40x128xf32, #tpu.memory_space<vmem>>, %arg5: memref<128x1xf32, #tpu.memory_space<vmem>>, %arg6: memref<128x1xf32, #tpu.memory_space<vmem>>, %arg7: memref<128x1xf32, #tpu.memory_space<vmem>>, %arg8: memref<128x1xf32, #tpu.memory_space<vmem>>, %arg9: memref<40x128xf32, #tpu.memory_space<vmem>>) attributes {dimension_semantics = [#tpu.dimension_semantics<arbitrary>], iteration_bounds = array<i64: 40>, scalar_prefetch = 0 : i64, scratch_operands = 0 : i64, tpu.core_type = #tpu.core_type<tc>, window_params = [{pipeline_mode = #tpu.pipeline_mode<synchronous>, transform_indices = @transform_0, window_bounds = array<i64: 40, 128>}, {pipeline_mode = #tpu.pipeline_mode<synchronous>, transform_indices = @transform_1, window_bounds = array<i64: 40, 128>}, {pipeline_mode = #tpu.pipeline_mode<synchronous>, transform_indices = @transform_2, window_bounds = array<i64: 40, 128>}, {pipeline_mode = #tpu.pipeline_mode<synchronous>, transform_indices = @transform_3, window_bounds = array<i64: 40, 128>}, {transform_indices = @transform_4, window_bounds = array<i64: 128, 1>}, {transform_indices = @transform_5, window_bounds = array<i64: 128, 1>}, {transform_indices = @transform_6, window_bounds = array<i64: 128, 1>}, {transform_indices = @transform_7, window_bounds = array<i64: 128, 1>}, {pipeline_mode = #tpu.pipeline_mode<synchronous>, transform_indices = @transform_8, window_bounds = array<i64: 40, 128>}]} {
    %eq3A = arith.constant 0 : i32
    %eq3A_0 = arith.cmpi eq, %arg0, %eq3A : i32
    %convert_element_type3A = arith.extui %eq3A_0 : i1 to i32
    %cond3A = arith.constant 0 : i32
    %cond3A_1 = arith.cmpi ne, %convert_element_type3A, %cond3A : i32
    scf.if %cond3A_1 {
      %broadcast_in_dim3A = arith.constant 1.000000e+00 : f32
      %broadcast_in_dim3A_114 = vector.broadcast %broadcast_in_dim3A : f32 to vector<40x128xf32>
      %swap3A_115 = arith.constant 0 : index
      %swap3A_116 = arith.constant 0 : index
      %swap3A_117 = vector.load %arg9[%swap3A_115, %swap3A_116] : memref<40x128xf32, #tpu.memory_space<vmem>>, vector<40x128xf32>
      tpu.vector_store %arg9[%swap3A_115, %swap3A_116], %broadcast_in_dim3A_114 {strides = array<i32>} : memref<40x128xf32, #tpu.memory_space<vmem>>, vector<40x128xf32>,
    } else {
    }
    %get3A = arith.constant 0 : index
    %get3A_2 = arith.constant 0 : index
    %get3A_3 = vector.load %arg5[%get3A, %get3A_2] : memref<128x1xf32, #tpu.memory_space<vmem>>, vector<128x1xf32>
    %get3A_4 = arith.constant 0 : index
    %get3A_5 = arith.constant 0 : index
    %get3A_6 = vector.load %arg6[%get3A_4, %get3A_5] : memref<128x1xf32, #tpu.memory_space<vmem>>, vector<128x1xf32>
    %get3A_7 = arith.constant 0 : index
    %get3A_8 = arith.constant 0 : index
    %get3A_9 = vector.load %arg7[%get3A_7, %get3A_8] : memref<128x1xf32, #tpu.memory_space<vmem>>, vector<128x1xf32>
    %add3A = arith.constant 1.000000e+00 : f32
    %add3A_10 = vector.broadcast %add3A : f32 to vector<128x1xf32>
    %add3A_11 = arith.addf %get3A_9, %add3A_10 : vector<128x1xf32>
    %get3A_12 = arith.constant 0 : index
    %get3A_13 = arith.constant 0 : index
    %get3A_14 = vector.load %arg8[%get3A_12, %get3A_13] : memref<128x1xf32, #tpu.memory_space<vmem>>, vector<128x1xf32>
    %add3A_15 = arith.constant 1.000000e+00 : f32
    %add3A_16 = vector.broadcast %add3A_15 : f32 to vector<128x1xf32>
    %add3A_17 = arith.addf %get3A_14, %add3A_16 : vector<128x1xf32>
    %sub3A = arith.subf %add3A_11, %get3A_3 : vector<128x1xf32>
    %sub3A_18 = arith.subf %add3A_17, %get3A_6 : vector<128x1xf32>
    %mul3A = arith.mulf %sub3A, %sub3A_18 : vector<128x1xf32>
    %get3A_19 = arith.index_cast %arg0 : i32 to index
    %get3A_20 = arith.constant 0 : index
    %get3A_21 = vector.load %arg1[%get3A_19, %get3A_20] : memref<40x128xf32, #tpu.memory_space<vmem>>, vector<1x128xf32>
    %get3A_22 = arith.index_cast %arg0 : i32 to index
    %get3A_23 = arith.constant 0 : index
    %get3A_24 = vector.load %arg2[%get3A_22, %get3A_23] : memref<40x128xf32, #tpu.memory_space<vmem>>, vector<1x128xf32>
    %get3A_25 = arith.index_cast %arg0 : i32 to index
    %get3A_26 = arith.constant 0 : index
    %get3A_27 = vector.load %arg3[%get3A_25, %get3A_26] : memref<40x128xf32, #tpu.memory_space<vmem>>, vector<1x128xf32>
    %get3A_28 = arith.index_cast %arg0 : i32 to index
    %get3A_29 = arith.constant 0 : index
    %get3A_30 = vector.load %arg4[%get3A_28, %get3A_29] : memref<40x128xf32, #tpu.memory_space<vmem>>, vector<1x128xf32>
    %add3A_31 = arith.constant 1.000000e+00 : f32
    %add3A_32 = vector.broadcast %add3A_31 : f32 to vector<1x128xf32>
    %add3A_33 = arith.addf %get3A_27, %add3A_32 : vector<1x128xf32>
    %add3A_34 = arith.constant 1.000000e+00 : f32
    %add3A_35 = vector.broadcast %add3A_34 : f32 to vector<1x128xf32>
    %add3A_36 = arith.addf %get3A_30, %add3A_35 : vector<1x128xf32>
    %sub3A_37 = arith.subf %add3A_33, %get3A_21 : vector<1x128xf32>
    %sub3A_38 = arith.subf %add3A_36, %get3A_24 : vector<1x128xf32>
    %mul3A_39 = arith.mulf %sub3A_37, %sub3A_38 : vector<1x128xf32>
    %min3A = vector.broadcast %add3A_11 : vector<128x1xf32> to vector<128x128xf32>
    %min3A_40 = vector.broadcast %add3A_33 : vector<1x128xf32> to vector<128x128xf32>
    %min3A_41 = arith.minimumf %min3A, %min3A_40 : vector<128x128xf32>
    %max3A = vector.broadcast %get3A_3 : vector<128x1xf32> to vector<128x128xf32>
    %max3A_42 = vector.broadcast %get3A_21 : vector<1x128xf32> to vector<128x128xf32>
    %max3A_43 = arith.maximumf %max3A, %max3A_42 : vector<128x128xf32>
    %sub3A_44 = arith.subf %min3A_41, %max3A_43 : vector<128x128xf32>
    %min3A_45 = vector.broadcast %add3A_17 : vector<128x1xf32> to vector<128x128xf32>
    %min3A_46 = vector.broadcast %add3A_36 : vector<1x128xf32> to vector<128x128xf32>
    %min3A_47 = arith.minimumf %min3A_45, %min3A_46 : vector<128x128xf32>
    %max3A_48 = vector.broadcast %get3A_6 : vector<128x1xf32> to vector<128x128xf32>
    %max3A_49 = vector.broadcast %get3A_24 : vector<1x128xf32> to vector<128x128xf32>
    %max3A_50 = arith.maximumf %max3A_48, %max3A_49 : vector<128x128xf32>
    %sub3A_51 = arith.subf %min3A_47, %max3A_50 : vector<128x128xf32>
    %max3A_52 = arith.constant 0.000000e+00 : f32
    %max3A_53 = vector.broadcast %max3A_52 : f32 to vector<128x128xf32>
    %max3A_54 = arith.maximumf %sub3A_44, %max3A_53 : vector<128x128xf32>
    %max3A_55 = arith.constant 0.000000e+00 : f32
    %max3A_56 = vector.broadcast %max3A_55 : f32 to vector<128x128xf32>
    %max3A_57 = arith.maximumf %sub3A_51, %max3A_56 : vector<128x128xf32>
    %mul3A_58 = arith.mulf %max3A_54, %max3A_57 : vector<128x128xf32>
    %add3A_59 = vector.broadcast %mul3A : vector<128x1xf32> to vector<128x128xf32>
    %add3A_60 = vector.broadcast %mul3A_39 : vector<1x128xf32> to vector<128x128xf32>
    %add3A_61 = arith.addf %add3A_59, %add3A_60 : vector<128x128xf32>
    %sub3A_62 = arith.subf %add3A_61, %mul3A_58 : vector<128x128xf32>
    %add3A_63 = arith.constant 9.99999997E-7 : f32
    %add3A_64 = vector.broadcast %add3A_63 : f32 to vector<128x128xf32>
    %add3A_65 = arith.addf %sub3A_62, %add3A_64 : vector<128x128xf32>
    %mul3A_66 = arith.constant 5.000000e-01 : f32
    %mul3A_67 = vector.broadcast %mul3A_66 : f32 to vector<128x128xf32>
    %mul3A_68 = arith.mulf %mul3A_67, %add3A_65 : vector<128x128xf32>
    %gt3A = arith.cmpf ogt, %mul3A_58, %mul3A_68 : vector<128x128xf32>
    %convert_element_type3A_69 = arith.extui %gt3A : vector<128x128xi1> to vector<128x128xi32>
    %convert_element_type3A_70 = arith.sitofp %convert_element_type3A_69 : vector<128x128xi32> to vector<128x128xf32>
    %iota3A = tpu.iota {dimensions = array<i32: 0>} : vector<128x128xi32>
    %iota3A_71 = tpu.iota {dimensions = array<i32: 1>} : vector<128x128xi32>
    %lt3A = arith.cmpi slt, %iota3A, %iota3A_71 : vector<128x128xi32>
    %convert_element_type3A_72 = arith.extui %lt3A : vector<128x128xi1> to vector<128x128xi32>
    %convert_element_type3A_73 = arith.sitofp %convert_element_type3A_72 : vector<128x128xi32> to vector<128x128xf32>
    %mul3A_74 = arith.mulf %convert_element_type3A_70, %convert_element_type3A_73 : vector<128x128xf32>
    %get3A_75 = arith.index_cast %arg0 : i32 to index
    %get3A_76 = arith.constant 0 : index
    %get3A_77 = vector.load %arg9[%get3A_75, %get3A_76] : memref<40x128xf32, #tpu.memory_space<vmem>>, vector<1x128xf32>
    %while3A = arith.constant true
    %while3A_78:2 = scf.while (%while3A_114 = %get3A_77, %while3A_115 = %while3A) : (vector<1x128xf32>, i1) -> (vector<1x128xf32>, i1) {
      scf.condition(%while3A_115) %while3A_114, %while3A_115 : vector<1x128xf32>, i1
    } do {
    ^bb0(%while3A_114: vector<1x128xf32>, %while3A_115: i1):
      %dot_general3A_116 = arith.constant dense<0.000000e+00> : vector<1x128xf32>
      %dot_general3A_117 = tpu.matmul %while3A_114, %mul3A_74, %dot_general3A_116 {dimension_numbers = #tpu.dot_dimension_numbers<[1], [0], [0], [1], [0, 0, 1, 1], [], []>, transpose_lhs_hint = false} : vector<1x128xf32>, vector<128x128xf32>, vector<1x128xf32> -> vector<1x128xf32>
      %lt3A_118 = arith.constant 5.000000e-01 : f32
      %lt3A_119 = vector.broadcast %lt3A_118 : f32 to vector<1x128xf32>
      %lt3A_120 = arith.cmpf olt, %dot_general3A_117, %lt3A_119 : vector<1x128xf32>
      %convert_element_type3A_121 = arith.extui %lt3A_120 : vector<1x128xi1> to vector<1x128xi32>
      %convert_element_type3A_122 = arith.sitofp %convert_element_type3A_121 : vector<1x128xi32> to vector<1x128xf32>
      %mul3A_123 = arith.mulf %get3A_77, %convert_element_type3A_122 : vector<1x128xf32>
      %ne3A_124 = arith.cmpf one, %mul3A_123, %while3A_114 : vector<1x128xf32>
      %reduce_or3A = arith.constant 1.000000e+00 : f32
      %reduce_or3A_125 = arith.constant 0.000000e+00 : f32
      %reduce_or3A_126 = vector.broadcast %reduce_or3A : f32 to vector<1x128xf32>
      %reduce_or3A_127 = vector.broadcast %reduce_or3A_125 : f32 to vector<1x128xf32>
      %reduce_or3A_128 = arith.select %ne3A_124, %reduce_or3A_126, %reduce_or3A_127 : vector<1x128xi1>, vector<1x128xf32>
      %reduce_or3A_129 = vector.shape_cast %reduce_or3A_128 : vector<1x128xf32> to vector<1x1x128xf32>
      %reduce_or3A_130 = arith.constant dense<0xFF800000> : vector<1xf32>
      %reduce_or3A_131 = vector.multi_reduction <maximumf>, %reduce_or3A_129, %reduce_or3A_130 [1, 2] : vector<1x1x128xf32> to vector<1xf32>
      %reduce_or3A_132 = vector.shape_cast %reduce_or3A_131 : vector<1xf32> to vector<1x1x1xf32>
      %reduce_or3A_133 = vector.extract %reduce_or3A_132[0, 0, 0] : f32 from vector<1x1x1xf32>
      %reduce_or3A_134 = arith.constant 0.000000e+00 : f32
      %reduce_or3A_135 = arith.cmpf ogt, %reduce_or3A_133, %reduce_or3A_134 : f32
      scf.yield %mul3A_123, %reduce_or3A_135 : vector<1x128xf32>, i1
    }
    %swap3A = arith.index_cast %arg0 : i32 to index
    %swap3A_79 = arith.constant 0 : index
    %swap3A_80 = vector.load %arg9[%swap3A, %swap3A_79] : memref<40x128xf32, #tpu.memory_space<vmem>>, vector<1x128xf32>
    tpu.vector_store %arg9[%swap3A, %swap3A_79], %while3A_78#0 {strides = array<i32>} : memref<40x128xf32, #tpu.memory_space<vmem>>, vector<1x128xf32>,
    %eq3A_81 = arith.cmpi eq, %iota3A, %iota3A_71 : vector<128x128xi32>
    %convert_element_type3A_82 = arith.extui %eq3A_81 : vector<128x128xi1> to vector<128x128xi32>
    %convert_element_type3A_83 = arith.sitofp %convert_element_type3A_82 : vector<128x128xi32> to vector<128x128xf32>
    %dot_general3A = arith.constant dense<0.000000e+00> : vector<128x1xf32>
    %dot_general3A_84 = tpu.matmul %convert_element_type3A_83, %while3A_78#0, %dot_general3A {dimension_numbers = #tpu.dot_dimension_numbers<[1], [1], [0], [0], [0, 0, 1, 0], [], []>, transpose_lhs_hint = false} : vector<128x128xf32>, vector<1x128xf32>, vector<128x1xf32> -> vector<128x1xf32>
    %add3A_85 = arith.constant 1 : i32
    %add3A_86 = arith.addi %arg0, %add3A_85 : i32
    %jit3A = arith.constant 8 : i32
    %div3A = arith.divsi %add3A_86, %jit3A : i32
    %sign3A = arith.constant 0 : i32
    %sign3A_87 = arith.cmpi sgt, %add3A_86, %sign3A : i32
    %sign3A_88 = arith.extui %sign3A_87 : i1 to i32
    %sign3A_89 = arith.constant 0 : i32
    %sign3A_90 = arith.cmpi slt, %add3A_86, %sign3A_89 : i32
    %sign3A_91 = arith.extui %sign3A_90 : i1 to i32
    %sign3A_92 = arith.subi %sign3A_88, %sign3A_91 : i32
    %sign3A_93 = arith.constant 0 : i32
    %sign3A_94 = arith.cmpi sgt, %jit3A, %sign3A_93 : i32
    %sign3A_95 = arith.extui %sign3A_94 : i1 to i32
    %sign3A_96 = arith.constant 0 : i32
    %sign3A_97 = arith.cmpi slt, %jit3A, %sign3A_96 : i32
    %sign3A_98 = arith.extui %sign3A_97 : i1 to i32
    %sign3A_99 = arith.subi %sign3A_95, %sign3A_98 : i32
    %ne3A = arith.cmpi ne, %sign3A_92, %sign3A_99 : i32
    %rem3A = arith.remsi %add3A_86, %jit3A : i32
    %ne3A_100 = arith.constant 0 : i32
    %ne3A_101 = arith.cmpi ne, %rem3A, %ne3A_100 : i32
    %and3A = arith.andi %ne3A, %ne3A_101 : i1
    %sub3A_102 = arith.constant 1 : i32
    %sub3A_103 = arith.subi %div3A, %sub3A_102 : i32
    %select_n3A = arith.select %and3A, %sub3A_103, %div3A : i32
    %while3A_104 = arith.constant 0 : i32
    %while3A_105 = arith.constant 5 : i32
    %while3A_106 = arith.subi %while3A_105, %select_n3A : i32
    %while3A_107 = arith.addi %select_n3A, %while3A_106 : i32
    %while3A_108 = arith.constant 1 : i32
    %while3A_109 = arith.divsi %while3A_106, %while3A_108 : i32
    %while3A_110 = arith.muli %while3A_109, %while3A_108 : i32
    %while3A_111 = arith.addi %select_n3A, %while3A_110 : i32
    %while3A_112 = arith.constant 1 : i32
    scf.for %while3A_114 = %select_n3A to %while3A_111 step %while3A_112  : i32 {
      %mul3A_115 = arith.constant 8 : i32
      %mul3A_116 = arith.muli %while3A_114, %mul3A_115 : i32
      %multiple_of3A = tpu.assume_multiple %mul3A_116, 8 : i32
      %get3A_117 = arith.index_cast %multiple_of3A : i32 to index
      %get3A_118 = arith.constant 0 : index
      %get3A_119 = vector.load %arg1[%get3A_117, %get3A_118] : memref<40x128xf32, #tpu.memory_space<vmem>>, vector<8x128xf32>
      %get3A_120 = arith.index_cast %multiple_of3A : i32 to index
      %get3A_121 = arith.constant 0 : index
      %get3A_122 = vector.load %arg2[%get3A_120, %get3A_121] : memref<40x128xf32, #tpu.memory_space<vmem>>, vector<8x128xf32>
      %get3A_123 = arith.index_cast %multiple_of3A : i32 to index
      %get3A_124 = arith.constant 0 : index
      %get3A_125 = vector.load %arg3[%get3A_123, %get3A_124] : memref<40x128xf32, #tpu.memory_space<vmem>>, vector<8x128xf32>
      %get3A_126 = arith.index_cast %multiple_of3A : i32 to index
      %get3A_127 = arith.constant 0 : index
      %get3A_128 = vector.load %arg4[%get3A_126, %get3A_127] : memref<40x128xf32, #tpu.memory_space<vmem>>, vector<8x128xf32>
      %get3A_129 = arith.index_cast %multiple_of3A : i32 to index
      %get3A_130 = arith.constant 0 : index
      %get3A_131 = vector.load %arg9[%get3A_129, %get3A_130] : memref<40x128xf32, #tpu.memory_space<vmem>>, vector<8x128xf32>
      %mul3A_132 = arith.constant 8 : i32
      %mul3A_133 = arith.muli %while3A_114, %mul3A_132 : i32
      %add3A_134 = arith.constant 0 : i32
      %add3A_135 = arith.addi %mul3A_133, %add3A_134 : i32
      %slice3A = vector.extract_strided_slice %get3A_119 {offsets = [0, 0], sizes = [1, 128], strides = [1, 1]} : vector<8x128xf32> to vector<1x128xf32>
      %slice3A_136 = vector.extract_strided_slice %get3A_122 {offsets = [0, 0], sizes = [1, 128], strides = [1, 1]} : vector<8x128xf32> to vector<1x128xf32>
      %slice3A_137 = vector.extract_strided_slice %get3A_125 {offsets = [0, 0], sizes = [1, 128], strides = [1, 1]} : vector<8x128xf32> to vector<1x128xf32>
      %slice3A_138 = vector.extract_strided_slice %get3A_128 {offsets = [0, 0], sizes = [1, 128], strides = [1, 1]} : vector<8x128xf32> to vector<1x128xf32>
      %add3A_139 = arith.constant 1.000000e+00 : f32
      %add3A_140 = vector.broadcast %add3A_139 : f32 to vector<1x128xf32>
      %add3A_141 = arith.addf %slice3A_137, %add3A_140 : vector<1x128xf32>
      %add3A_142 = arith.constant 1.000000e+00 : f32
      %add3A_143 = vector.broadcast %add3A_142 : f32 to vector<1x128xf32>
      %add3A_144 = arith.addf %slice3A_138, %add3A_143 : vector<1x128xf32>
      %sub3A_145 = arith.subf %add3A_141, %slice3A : vector<1x128xf32>
      %sub3A_146 = arith.subf %add3A_144, %slice3A_136 : vector<1x128xf32>
      %mul3A_147 = arith.mulf %sub3A_145, %sub3A_146 : vector<1x128xf32>
      %min3A_148 = vector.broadcast %add3A_11 : vector<128x1xf32> to vector<128x128xf32>
      %min3A_149 = vector.broadcast %add3A_141 : vector<1x128xf32> to vector<128x128xf32>
      %min3A_150 = arith.minimumf %min3A_148, %min3A_149 : vector<128x128xf32>
      %max3A_151 = vector.broadcast %get3A_3 : vector<128x1xf32> to vector<128x128xf32>
      %max3A_152 = vector.broadcast %slice3A : vector<1x128xf32> to vector<128x128xf32>
      %max3A_153 = arith.maximumf %max3A_151, %max3A_152 : vector<128x128xf32>
      %sub3A_154 = arith.subf %min3A_150, %max3A_153 : vector<128x128xf32>
      %min3A_155 = vector.broadcast %add3A_17 : vector<128x1xf32> to vector<128x128xf32>
      %min3A_156 = vector.broadcast %add3A_144 : vector<1x128xf32> to vector<128x128xf32>
      %min3A_157 = arith.minimumf %min3A_155, %min3A_156 : vector<128x128xf32>
      %max3A_158 = vector.broadcast %get3A_6 : vector<128x1xf32> to vector<128x128xf32>
      %max3A_159 = vector.broadcast %slice3A_136 : vector<1x128xf32> to vector<128x128xf32>
      %max3A_160 = arith.maximumf %max3A_158, %max3A_159 : vector<128x128xf32>
      %sub3A_161 = arith.subf %min3A_157, %max3A_160 : vector<128x128xf32>
      %max3A_162 = arith.constant 0.000000e+00 : f32
      %max3A_163 = vector.broadcast %max3A_162 : f32 to vector<128x128xf32>
      %max3A_164 = arith.maximumf %sub3A_154, %max3A_163 : vector<128x128xf32>
      %max3A_165 = arith.constant 0.000000e+00 : f32
      %max3A_166 = vector.broadcast %max3A_165 : f32 to vector<128x128xf32>
      %max3A_167 = arith.maximumf %sub3A_161, %max3A_166 : vector<128x128xf32>
      %mul3A_168 = arith.mulf %max3A_164, %max3A_167 : vector<128x128xf32>
      %add3A_169 = vector.broadcast %mul3A : vector<128x1xf32> to vector<128x128xf32>
      %add3A_170 = vector.broadcast %mul3A_147 : vector<1x128xf32> to vector<128x128xf32>
      %add3A_171 = arith.addf %add3A_169, %add3A_170 : vector<128x128xf32>
      %sub3A_172 = arith.subf %add3A_171, %mul3A_168 : vector<128x128xf32>
      %add3A_173 = arith.constant 9.99999997E-7 : f32
      %add3A_174 = vector.broadcast %add3A_173 : f32 to vector<128x128xf32>
      %add3A_175 = arith.addf %sub3A_172, %add3A_174 : vector<128x128xf32>
      %mul3A_176 = arith.constant 5.000000e-01 : f32
      %mul3A_177 = vector.broadcast %mul3A_176 : f32 to vector<128x128xf32>
      %mul3A_178 = arith.mulf %mul3A_177, %add3A_175 : vector<128x128xf32>
      %gt3A_179 = arith.cmpf ogt, %mul3A_168, %mul3A_178 : vector<128x128xf32>
      %convert_element_type3A_180 = arith.extui %gt3A_179 : vector<128x128xi1> to vector<128x128xi32>
      %convert_element_type3A_181 = arith.sitofp %convert_element_type3A_180 : vector<128x128xi32> to vector<128x128xf32>
      %mul3A_182 = vector.broadcast %dot_general3A_84 : vector<128x1xf32> to vector<128x128xf32>
      %mul3A_183 = arith.mulf %convert_element_type3A_181, %mul3A_182 : vector<128x128xf32>
      %reduce_max3A = arith.constant dense<0xFF800000> : vector<128xf32>
      %reduce_max3A_184 = vector.multi_reduction <maximumf>, %mul3A_183, %reduce_max3A [0] : vector<128x128xf32> to vector<128xf32>
      %broadcast_in_dim3A = vector.shape_cast %reduce_max3A_184 : vector<128xf32> to vector<1x128xf32>
      %slice3A_185 = vector.extract_strided_slice %get3A_131 {offsets = [0, 0], sizes = [1, 128], strides = [1, 1]} : vector<8x128xf32> to vector<1x128xf32>
      %lt3A_186 = arith.constant 5.000000e-01 : f32
      %lt3A_187 = vector.broadcast %lt3A_186 : f32 to vector<1x128xf32>
      %lt3A_188 = arith.cmpf olt, %broadcast_in_dim3A, %lt3A_187 : vector<1x128xf32>
      %convert_element_type3A_189 = arith.extui %lt3A_188 : vector<1x128xi1> to vector<1x128xi32>
      %convert_element_type3A_190 = arith.sitofp %convert_element_type3A_189 : vector<1x128xi32> to vector<1x128xf32>
      %mul3A_191 = arith.mulf %slice3A_185, %convert_element_type3A_190 : vector<1x128xf32>
      %gt3A_192 = arith.cmpi sgt, %add3A_135, %arg0 : i32
      %select_n3A_193 = arith.select %gt3A_192, %mul3A_191, %slice3A_185 : vector<1x128xf32>
      %mul3A_194 = arith.constant 8 : i32
      %mul3A_195 = arith.muli %while3A_114, %mul3A_194 : i32
      %add3A_196 = arith.constant 1 : i32
      %add3A_197 = arith.addi %mul3A_195, %add3A_196 : i32
      %slice3A_198 = vector.extract_strided_slice %get3A_119 {offsets = [1, 0], sizes = [1, 128], strides = [1, 1]} : vector<8x128xf32> to vector<1x128xf32>
      %slice3A_199 = vector.extract_strided_slice %get3A_122 {offsets = [1, 0], sizes = [1, 128], strides = [1, 1]} : vector<8x128xf32> to vector<1x128xf32>
      %slice3A_200 = vector.extract_strided_slice %get3A_125 {offsets = [1, 0], sizes = [1, 128], strides = [1, 1]} : vector<8x128xf32> to vector<1x128xf32>
      %slice3A_201 = vector.extract_strided_slice %get3A_128 {offsets = [1, 0], sizes = [1, 128], strides = [1, 1]} : vector<8x128xf32> to vector<1x128xf32>
      %add3A_202 = arith.constant 1.000000e+00 : f32
      %add3A_203 = vector.broadcast %add3A_202 : f32 to vector<1x128xf32>
      %add3A_204 = arith.addf %slice3A_200, %add3A_203 : vector<1x128xf32>
      %add3A_205 = arith.constant 1.000000e+00 : f32
      %add3A_206 = vector.broadcast %add3A_205 : f32 to vector<1x128xf32>
      %add3A_207 = arith.addf %slice3A_201, %add3A_206 : vector<1x128xf32>
      %sub3A_208 = arith.subf %add3A_204, %slice3A_198 : vector<1x128xf32>
      %sub3A_209 = arith.subf %add3A_207, %slice3A_199 : vector<1x128xf32>
      %mul3A_210 = arith.mulf %sub3A_208, %sub3A_209 : vector<1x128xf32>
      %min3A_211 = vector.broadcast %add3A_11 : vector<128x1xf32> to vector<128x128xf32>
      %min3A_212 = vector.broadcast %add3A_204 : vector<1x128xf32> to vector<128x128xf32>
      %min3A_213 = arith.minimumf %min3A_211, %min3A_212 : vector<128x128xf32>
      %max3A_214 = vector.broadcast %get3A_3 : vector<128x1xf32> to vector<128x128xf32>
      %max3A_215 = vector.broadcast %slice3A_198 : vector<1x128xf32> to vector<128x128xf32>
      %max3A_216 = arith.maximumf %max3A_214, %max3A_215 : vector<128x128xf32>
      %sub3A_217 = arith.subf %min3A_213, %max3A_216 : vector<128x128xf32>
      %min3A_218 = vector.broadcast %add3A_17 : vector<128x1xf32> to vector<128x128xf32>
      %min3A_219 = vector.broadcast %add3A_207 : vector<1x128xf32> to vector<128x128xf32>
      %min3A_220 = arith.minimumf %min3A_218, %min3A_219 : vector<128x128xf32>
      %max3A_221 = vector.broadcast %get3A_6 : vector<128x1xf32> to vector<128x128xf32>
      %max3A_222 = vector.broadcast %slice3A_199 : vector<1x128xf32> to vector<128x128xf32>
      %max3A_223 = arith.maximumf %max3A_221, %max3A_222 : vector<128x128xf32>
      %sub3A_224 = arith.subf %min3A_220, %max3A_223 : vector<128x128xf32>
      %max3A_225 = arith.constant 0.000000e+00 : f32
      %max3A_226 = vector.broadcast %max3A_225 : f32 to vector<128x128xf32>
      %max3A_227 = arith.maximumf %sub3A_217, %max3A_226 : vector<128x128xf32>
      %max3A_228 = arith.constant 0.000000e+00 : f32
      %max3A_229 = vector.broadcast %max3A_228 : f32 to vector<128x128xf32>
      %max3A_230 = arith.maximumf %sub3A_224, %max3A_229 : vector<128x128xf32>
      %mul3A_231 = arith.mulf %max3A_227, %max3A_230 : vector<128x128xf32>
      %add3A_232 = vector.broadcast %mul3A : vector<128x1xf32> to vector<128x128xf32>
      %add3A_233 = vector.broadcast %mul3A_210 : vector<1x128xf32> to vector<128x128xf32>
      %add3A_234 = arith.addf %add3A_232, %add3A_233 : vector<128x128xf32>
      %sub3A_235 = arith.subf %add3A_234, %mul3A_231 : vector<128x128xf32>
      %add3A_236 = arith.constant 9.99999997E-7 : f32
      %add3A_237 = vector.broadcast %add3A_236 : f32 to vector<128x128xf32>
      %add3A_238 = arith.addf %sub3A_235, %add3A_237 : vector<128x128xf32>
      %mul3A_239 = arith.constant 5.000000e-01 : f32
      %mul3A_240 = vector.broadcast %mul3A_239 : f32 to vector<128x128xf32>
      %mul3A_241 = arith.mulf %mul3A_240, %add3A_238 : vector<128x128xf32>
      %gt3A_242 = arith.cmpf ogt, %mul3A_231, %mul3A_241 : vector<128x128xf32>
      %convert_element_type3A_243 = arith.extui %gt3A_242 : vector<128x128xi1> to vector<128x128xi32>
      %convert_element_type3A_244 = arith.sitofp %convert_element_type3A_243 : vector<128x128xi32> to vector<128x128xf32>
      %mul3A_245 = vector.broadcast %dot_general3A_84 : vector<128x1xf32> to vector<128x128xf32>
      %mul3A_246 = arith.mulf %convert_element_type3A_244, %mul3A_245 : vector<128x128xf32>
      %reduce_max3A_247 = arith.constant dense<0xFF800000> : vector<128xf32>
      %reduce_max3A_248 = vector.multi_reduction <maximumf>, %mul3A_246, %reduce_max3A_247 [0] : vector<128x128xf32> to vector<128xf32>
      %broadcast_in_dim3A_249 = vector.shape_cast %reduce_max3A_248 : vector<128xf32> to vector<1x128xf32>
      %slice3A_250 = vector.extract_strided_slice %get3A_131 {offsets = [1, 0], sizes = [1, 128], strides = [1, 1]} : vector<8x128xf32> to vector<1x128xf32>
      %lt3A_251 = arith.constant 5.000000e-01 : f32
      %lt3A_252 = vector.broadcast %lt3A_251 : f32 to vector<1x128xf32>
      %lt3A_253 = arith.cmpf olt, %broadcast_in_dim3A_249, %lt3A_252 : vector<1x128xf32>
      %convert_element_type3A_254 = arith.extui %lt3A_253 : vector<1x128xi1> to vector<1x128xi32>
      %convert_element_type3A_255 = arith.sitofp %convert_element_type3A_254 : vector<1x128xi32> to vector<1x128xf32>
      %mul3A_256 = arith.mulf %slice3A_250, %convert_element_type3A_255 : vector<1x128xf32>
      %gt3A_257 = arith.cmpi sgt, %add3A_197, %arg0 : i32
      %select_n3A_258 = arith.select %gt3A_257, %mul3A_256, %slice3A_250 : vector<1x128xf32>
      %mul3A_259 = arith.constant 8 : i32
      %mul3A_260 = arith.muli %while3A_114, %mul3A_259 : i32
      %add3A_261 = arith.constant 2 : i32
      %add3A_262 = arith.addi %mul3A_260, %add3A_261 : i32
      %slice3A_263 = vector.extract_strided_slice %get3A_119 {offsets = [2, 0], sizes = [1, 128], strides = [1, 1]} : vector<8x128xf32> to vector<1x128xf32>
      %slice3A_264 = vector.extract_strided_slice %get3A_122 {offsets = [2, 0], sizes = [1, 128], strides = [1, 1]} : vector<8x128xf32> to vector<1x128xf32>
      %slice3A_265 = vector.extract_strided_slice %get3A_125 {offsets = [2, 0], sizes = [1, 128], strides = [1, 1]} : vector<8x128xf32> to vector<1x128xf32>
      %slice3A_266 = vector.extract_strided_slice %get3A_128 {offsets = [2, 0], sizes = [1, 128], strides = [1, 1]} : vector<8x128xf32> to vector<1x128xf32>
      %add3A_267 = arith.constant 1.000000e+00 : f32
      %add3A_268 = vector.broadcast %add3A_267 : f32 to vector<1x128xf32>
      %add3A_269 = arith.addf %slice3A_265, %add3A_268 : vector<1x128xf32>
      %add3A_270 = arith.constant 1.000000e+00 : f32
      %add3A_271 = vector.broadcast %add3A_270 : f32 to vector<1x128xf32>
      %add3A_272 = arith.addf %slice3A_266, %add3A_271 : vector<1x128xf32>
      %sub3A_273 = arith.subf %add3A_269, %slice3A_263 : vector<1x128xf32>
      %sub3A_274 = arith.subf %add3A_272, %slice3A_264 : vector<1x128xf32>
      %mul3A_275 = arith.mulf %sub3A_273, %sub3A_274 : vector<1x128xf32>
      %min3A_276 = vector.broadcast %add3A_11 : vector<128x1xf32> to vector<128x128xf32>
      %min3A_277 = vector.broadcast %add3A_269 : vector<1x128xf32> to vector<128x128xf32>
      %min3A_278 = arith.minimumf %min3A_276, %min3A_277 : vector<128x128xf32>
      %max3A_279 = vector.broadcast %get3A_3 : vector<128x1xf32> to vector<128x128xf32>
      %max3A_280 = vector.broadcast %slice3A_263 : vector<1x128xf32> to vector<128x128xf32>
      %max3A_281 = arith.maximumf %max3A_279, %max3A_280 : vector<128x128xf32>
      %sub3A_282 = arith.subf %min3A_278, %max3A_281 : vector<128x128xf32>
      %min3A_283 = vector.broadcast %add3A_17 : vector<128x1xf32> to vector<128x128xf32>
      %min3A_284 = vector.broadcast %add3A_272 : vector<1x128xf32> to vector<128x128xf32>
      %min3A_285 = arith.minimumf %min3A_283, %min3A_284 : vector<128x128xf32>
      %max3A_286 = vector.broadcast %get3A_6 : vector<128x1xf32> to vector<128x128xf32>
      %max3A_287 = vector.broadcast %slice3A_264 : vector<1x128xf32> to vector<128x128xf32>
      %max3A_288 = arith.maximumf %max3A_286, %max3A_287 : vector<128x128xf32>
      %sub3A_289 = arith.subf %min3A_285, %max3A_288 : vector<128x128xf32>
      %max3A_290 = arith.constant 0.000000e+00 : f32
      %max3A_291 = vector.broadcast %max3A_290 : f32 to vector<128x128xf32>
      %max3A_292 = arith.maximumf %sub3A_282, %max3A_291 : vector<128x128xf32>
      %max3A_293 = arith.constant 0.000000e+00 : f32
      %max3A_294 = vector.broadcast %max3A_293 : f32 to vector<128x128xf32>
      %max3A_295 = arith.maximumf %sub3A_289, %max3A_294 : vector<128x128xf32>
      %mul3A_296 = arith.mulf %max3A_292, %max3A_295 : vector<128x128xf32>
      %add3A_297 = vector.broadcast %mul3A : vector<128x1xf32> to vector<128x128xf32>
      %add3A_298 = vector.broadcast %mul3A_275 : vector<1x128xf32> to vector<128x128xf32>
      %add3A_299 = arith.addf %add3A_297, %add3A_298 : vector<128x128xf32>
      %sub3A_300 = arith.subf %add3A_299, %mul3A_296 : vector<128x128xf32>
      %add3A_301 = arith.constant 9.99999997E-7 : f32
      %add3A_302 = vector.broadcast %add3A_301 : f32 to vector<128x128xf32>
      %add3A_303 = arith.addf %sub3A_300, %add3A_302 : vector<128x128xf32>
      %mul3A_304 = arith.constant 5.000000e-01 : f32
      %mul3A_305 = vector.broadcast %mul3A_304 : f32 to vector<128x128xf32>
      %mul3A_306 = arith.mulf %mul3A_305, %add3A_303 : vector<128x128xf32>
      %gt3A_307 = arith.cmpf ogt, %mul3A_296, %mul3A_306 : vector<128x128xf32>
      %convert_element_type3A_308 = arith.extui %gt3A_307 : vector<128x128xi1> to vector<128x128xi32>
      %convert_element_type3A_309 = arith.sitofp %convert_element_type3A_308 : vector<128x128xi32> to vector<128x128xf32>
      %mul3A_310 = vector.broadcast %dot_general3A_84 : vector<128x1xf32> to vector<128x128xf32>
      %mul3A_311 = arith.mulf %convert_element_type3A_309, %mul3A_310 : vector<128x128xf32>
      %reduce_max3A_312 = arith.constant dense<0xFF800000> : vector<128xf32>
      %reduce_max3A_313 = vector.multi_reduction <maximumf>, %mul3A_311, %reduce_max3A_312 [0] : vector<128x128xf32> to vector<128xf32>
      %broadcast_in_dim3A_314 = vector.shape_cast %reduce_max3A_313 : vector<128xf32> to vector<1x128xf32>
      %slice3A_315 = vector.extract_strided_slice %get3A_131 {offsets = [2, 0], sizes = [1, 128], strides = [1, 1]} : vector<8x128xf32> to vector<1x128xf32>
      %lt3A_316 = arith.constant 5.000000e-01 : f32
      %lt3A_317 = vector.broadcast %lt3A_316 : f32 to vector<1x128xf32>
      %lt3A_318 = arith.cmpf olt, %broadcast_in_dim3A_314, %lt3A_317 : vector<1x128xf32>
      %convert_element_type3A_319 = arith.extui %lt3A_318 : vector<1x128xi1> to vector<1x128xi32>
      %convert_element_type3A_320 = arith.sitofp %convert_element_type3A_319 : vector<1x128xi32> to vector<1x128xf32>
      %mul3A_321 = arith.mulf %slice3A_315, %convert_element_type3A_320 : vector<1x128xf32>
      %gt3A_322 = arith.cmpi sgt, %add3A_262, %arg0 : i32
      %select_n3A_323 = arith.select %gt3A_322, %mul3A_321, %slice3A_315 : vector<1x128xf32>
      %mul3A_324 = arith.constant 8 : i32
      %mul3A_325 = arith.muli %while3A_114, %mul3A_324 : i32
      %add3A_326 = arith.constant 3 : i32
      %add3A_327 = arith.addi %mul3A_325, %add3A_326 : i32
      %slice3A_328 = vector.extract_strided_slice %get3A_119 {offsets = [3, 0], sizes = [1, 128], strides = [1, 1]} : vector<8x128xf32> to vector<1x128xf32>
      %slice3A_329 = vector.extract_strided_slice %get3A_122 {offsets = [3, 0], sizes = [1, 128], strides = [1, 1]} : vector<8x128xf32> to vector<1x128xf32>
      %slice3A_330 = vector.extract_strided_slice %get3A_125 {offsets = [3, 0], sizes = [1, 128], strides = [1, 1]} : vector<8x128xf32> to vector<1x128xf32>
      %slice3A_331 = vector.extract_strided_slice %get3A_128 {offsets = [3, 0], sizes = [1, 128], strides = [1, 1]} : vector<8x128xf32> to vector<1x128xf32>
      %add3A_332 = arith.constant 1.000000e+00 : f32
      %add3A_333 = vector.broadcast %add3A_332 : f32 to vector<1x128xf32>
      %add3A_334 = arith.addf %slice3A_330, %add3A_333 : vector<1x128xf32>
      %add3A_335 = arith.constant 1.000000e+00 : f32
      %add3A_336 = vector.broadcast %add3A_335 : f32 to vector<1x128xf32>
      %add3A_337 = arith.addf %slice3A_331, %add3A_336 : vector<1x128xf32>
      %sub3A_338 = arith.subf %add3A_334, %slice3A_328 : vector<1x128xf32>
      %sub3A_339 = arith.subf %add3A_337, %slice3A_329 : vector<1x128xf32>
      %mul3A_340 = arith.mulf %sub3A_338, %sub3A_339 : vector<1x128xf32>
      %min3A_341 = vector.broadcast %add3A_11 : vector<128x1xf32> to vector<128x128xf32>
      %min3A_342 = vector.broadcast %add3A_334 : vector<1x128xf32> to vector<128x128xf32>
      %min3A_343 = arith.minimumf %min3A_341, %min3A_342 : vector<128x128xf32>
      %max3A_344 = vector.broadcast %get3A_3 : vector<128x1xf32> to vector<128x128xf32>
      %max3A_345 = vector.broadcast %slice3A_328 : vector<1x128xf32> to vector<128x128xf32>
      %max3A_346 = arith.maximumf %max3A_344, %max3A_345 : vector<128x128xf32>
      %sub3A_347 = arith.subf %min3A_343, %max3A_346 : vector<128x128xf32>
      %min3A_348 = vector.broadcast %add3A_17 : vector<128x1xf32> to vector<128x128xf32>
      %min3A_349 = vector.broadcast %add3A_337 : vector<1x128xf32> to vector<128x128xf32>
      %min3A_350 = arith.minimumf %min3A_348, %min3A_349 : vector<128x128xf32>
      %max3A_351 = vector.broadcast %get3A_6 : vector<128x1xf32> to vector<128x128xf32>
      %max3A_352 = vector.broadcast %slice3A_329 : vector<1x128xf32> to vector<128x128xf32>
      %max3A_353 = arith.maximumf %max3A_351, %max3A_352 : vector<128x128xf32>
      %sub3A_354 = arith.subf %min3A_350, %max3A_353 : vector<128x128xf32>
      %max3A_355 = arith.constant 0.000000e+00 : f32
      %max3A_356 = vector.broadcast %max3A_355 : f32 to vector<128x128xf32>
      %max3A_357 = arith.maximumf %sub3A_347, %max3A_356 : vector<128x128xf32>
      %max3A_358 = arith.constant 0.000000e+00 : f32
      %max3A_359 = vector.broadcast %max3A_358 : f32 to vector<128x128xf32>
      %max3A_360 = arith.maximumf %sub3A_354, %max3A_359 : vector<128x128xf32>
      %mul3A_361 = arith.mulf %max3A_357, %max3A_360 : vector<128x128xf32>
      %add3A_362 = vector.broadcast %mul3A : vector<128x1xf32> to vector<128x128xf32>
      %add3A_363 = vector.broadcast %mul3A_340 : vector<1x128xf32> to vector<128x128xf32>
      %add3A_364 = arith.addf %add3A_362, %add3A_363 : vector<128x128xf32>
      %sub3A_365 = arith.subf %add3A_364, %mul3A_361 : vector<128x128xf32>
      %add3A_366 = arith.constant 9.99999997E-7 : f32
      %add3A_367 = vector.broadcast %add3A_366 : f32 to vector<128x128xf32>
      %add3A_368 = arith.addf %sub3A_365, %add3A_367 : vector<128x128xf32>
      %mul3A_369 = arith.constant 5.000000e-01 : f32
      %mul3A_370 = vector.broadcast %mul3A_369 : f32 to vector<128x128xf32>
      %mul3A_371 = arith.mulf %mul3A_370, %add3A_368 : vector<128x128xf32>
      %gt3A_372 = arith.cmpf ogt, %mul3A_361, %mul3A_371 : vector<128x128xf32>
      %convert_element_type3A_373 = arith.extui %gt3A_372 : vector<128x128xi1> to vector<128x128xi32>
      %convert_element_type3A_374 = arith.sitofp %convert_element_type3A_373 : vector<128x128xi32> to vector<128x128xf32>
      %mul3A_375 = vector.broadcast %dot_general3A_84 : vector<128x1xf32> to vector<128x128xf32>
      %mul3A_376 = arith.mulf %convert_element_type3A_374, %mul3A_375 : vector<128x128xf32>
      %reduce_max3A_377 = arith.constant dense<0xFF800000> : vector<128xf32>
      %reduce_max3A_378 = vector.multi_reduction <maximumf>, %mul3A_376, %reduce_max3A_377 [0] : vector<128x128xf32> to vector<128xf32>
      %broadcast_in_dim3A_379 = vector.shape_cast %reduce_max3A_378 : vector<128xf32> to vector<1x128xf32>
      %slice3A_380 = vector.extract_strided_slice %get3A_131 {offsets = [3, 0], sizes = [1, 128], strides = [1, 1]} : vector<8x128xf32> to vector<1x128xf32>
      %lt3A_381 = arith.constant 5.000000e-01 : f32
      %lt3A_382 = vector.broadcast %lt3A_381 : f32 to vector<1x128xf32>
      %lt3A_383 = arith.cmpf olt, %broadcast_in_dim3A_379, %lt3A_382 : vector<1x128xf32>
      %convert_element_type3A_384 = arith.extui %lt3A_383 : vector<1x128xi1> to vector<1x128xi32>
      %convert_element_type3A_385 = arith.sitofp %convert_element_type3A_384 : vector<1x128xi32> to vector<1x128xf32>
      %mul3A_386 = arith.mulf %slice3A_380, %convert_element_type3A_385 : vector<1x128xf32>
      %gt3A_387 = arith.cmpi sgt, %add3A_327, %arg0 : i32
      %select_n3A_388 = arith.select %gt3A_387, %mul3A_386, %slice3A_380 : vector<1x128xf32>
      %mul3A_389 = arith.constant 8 : i32
      %mul3A_390 = arith.muli %while3A_114, %mul3A_389 : i32
      %add3A_391 = arith.constant 4 : i32
      %add3A_392 = arith.addi %mul3A_390, %add3A_391 : i32
      %slice3A_393 = vector.extract_strided_slice %get3A_119 {offsets = [4, 0], sizes = [1, 128], strides = [1, 1]} : vector<8x128xf32> to vector<1x128xf32>
      %slice3A_394 = vector.extract_strided_slice %get3A_122 {offsets = [4, 0], sizes = [1, 128], strides = [1, 1]} : vector<8x128xf32> to vector<1x128xf32>
      %slice3A_395 = vector.extract_strided_slice %get3A_125 {offsets = [4, 0], sizes = [1, 128], strides = [1, 1]} : vector<8x128xf32> to vector<1x128xf32>
      %slice3A_396 = vector.extract_strided_slice %get3A_128 {offsets = [4, 0], sizes = [1, 128], strides = [1, 1]} : vector<8x128xf32> to vector<1x128xf32>
      %add3A_397 = arith.constant 1.000000e+00 : f32
      %add3A_398 = vector.broadcast %add3A_397 : f32 to vector<1x128xf32>
      %add3A_399 = arith.addf %slice3A_395, %add3A_398 : vector<1x128xf32>
      %add3A_400 = arith.constant 1.000000e+00 : f32
      %add3A_401 = vector.broadcast %add3A_400 : f32 to vector<1x128xf32>
      %add3A_402 = arith.addf %slice3A_396, %add3A_401 : vector<1x128xf32>
      %sub3A_403 = arith.subf %add3A_399, %slice3A_393 : vector<1x128xf32>
      %sub3A_404 = arith.subf %add3A_402, %slice3A_394 : vector<1x128xf32>
      %mul3A_405 = arith.mulf %sub3A_403, %sub3A_404 : vector<1x128xf32>
      %min3A_406 = vector.broadcast %add3A_11 : vector<128x1xf32> to vector<128x128xf32>
      %min3A_407 = vector.broadcast %add3A_399 : vector<1x128xf32> to vector<128x128xf32>
      %min3A_408 = arith.minimumf %min3A_406, %min3A_407 : vector<128x128xf32>
      %max3A_409 = vector.broadcast %get3A_3 : vector<128x1xf32> to vector<128x128xf32>
      %max3A_410 = vector.broadcast %slice3A_393 : vector<1x128xf32> to vector<128x128xf32>
      %max3A_411 = arith.maximumf %max3A_409, %max3A_410 : vector<128x128xf32>
      %sub3A_412 = arith.subf %min3A_408, %max3A_411 : vector<128x128xf32>
      %min3A_413 = vector.broadcast %add3A_17 : vector<128x1xf32> to vector<128x128xf32>
      %min3A_414 = vector.broadcast %add3A_402 : vector<1x128xf32> to vector<128x128xf32>
      %min3A_415 = arith.minimumf %min3A_413, %min3A_414 : vector<128x128xf32>
      %max3A_416 = vector.broadcast %get3A_6 : vector<128x1xf32> to vector<128x128xf32>
      %max3A_417 = vector.broadcast %slice3A_394 : vector<1x128xf32> to vector<128x128xf32>
      %max3A_418 = arith.maximumf %max3A_416, %max3A_417 : vector<128x128xf32>
      %sub3A_419 = arith.subf %min3A_415, %max3A_418 : vector<128x128xf32>
      %max3A_420 = arith.constant 0.000000e+00 : f32
      %max3A_421 = vector.broadcast %max3A_420 : f32 to vector<128x128xf32>
      %max3A_422 = arith.maximumf %sub3A_412, %max3A_421 : vector<128x128xf32>
      %max3A_423 = arith.constant 0.000000e+00 : f32
      %max3A_424 = vector.broadcast %max3A_423 : f32 to vector<128x128xf32>
      %max3A_425 = arith.maximumf %sub3A_419, %max3A_424 : vector<128x128xf32>
      %mul3A_426 = arith.mulf %max3A_422, %max3A_425 : vector<128x128xf32>
      %add3A_427 = vector.broadcast %mul3A : vector<128x1xf32> to vector<128x128xf32>
      %add3A_428 = vector.broadcast %mul3A_405 : vector<1x128xf32> to vector<128x128xf32>
      %add3A_429 = arith.addf %add3A_427, %add3A_428 : vector<128x128xf32>
      %sub3A_430 = arith.subf %add3A_429, %mul3A_426 : vector<128x128xf32>
      %add3A_431 = arith.constant 9.99999997E-7 : f32
      %add3A_432 = vector.broadcast %add3A_431 : f32 to vector<128x128xf32>
      %add3A_433 = arith.addf %sub3A_430, %add3A_432 : vector<128x128xf32>
      %mul3A_434 = arith.constant 5.000000e-01 : f32
      %mul3A_435 = vector.broadcast %mul3A_434 : f32 to vector<128x128xf32>
      %mul3A_436 = arith.mulf %mul3A_435, %add3A_433 : vector<128x128xf32>
      %gt3A_437 = arith.cmpf ogt, %mul3A_426, %mul3A_436 : vector<128x128xf32>
      %convert_element_type3A_438 = arith.extui %gt3A_437 : vector<128x128xi1> to vector<128x128xi32>
      %convert_element_type3A_439 = arith.sitofp %convert_element_type3A_438 : vector<128x128xi32> to vector<128x128xf32>
      %mul3A_440 = vector.broadcast %dot_general3A_84 : vector<128x1xf32> to vector<128x128xf32>
      %mul3A_441 = arith.mulf %convert_element_type3A_439, %mul3A_440 : vector<128x128xf32>
      %reduce_max3A_442 = arith.constant dense<0xFF800000> : vector<128xf32>
      %reduce_max3A_443 = vector.multi_reduction <maximumf>, %mul3A_441, %reduce_max3A_442 [0] : vector<128x128xf32> to vector<128xf32>
      %broadcast_in_dim3A_444 = vector.shape_cast %reduce_max3A_443 : vector<128xf32> to vector<1x128xf32>
      %slice3A_445 = vector.extract_strided_slice %get3A_131 {offsets = [4, 0], sizes = [1, 128], strides = [1, 1]} : vector<8x128xf32> to vector<1x128xf32>
      %lt3A_446 = arith.constant 5.000000e-01 : f32
      %lt3A_447 = vector.broadcast %lt3A_446 : f32 to vector<1x128xf32>
      %lt3A_448 = arith.cmpf olt, %broadcast_in_dim3A_444, %lt3A_447 : vector<1x128xf32>
      %convert_element_type3A_449 = arith.extui %lt3A_448 : vector<1x128xi1> to vector<1x128xi32>
      %convert_element_type3A_450 = arith.sitofp %convert_element_type3A_449 : vector<1x128xi32> to vector<1x128xf32>
      %mul3A_451 = arith.mulf %slice3A_445, %convert_element_type3A_450 : vector<1x128xf32>
      %gt3A_452 = arith.cmpi sgt, %add3A_392, %arg0 : i32
      %select_n3A_453 = arith.select %gt3A_452, %mul3A_451, %slice3A_445 : vector<1x128xf32>
      %mul3A_454 = arith.constant 8 : i32
      %mul3A_455 = arith.muli %while3A_114, %mul3A_454 : i32
      %add3A_456 = arith.constant 5 : i32
      %add3A_457 = arith.addi %mul3A_455, %add3A_456 : i32
      %slice3A_458 = vector.extract_strided_slice %get3A_119 {offsets = [5, 0], sizes = [1, 128], strides = [1, 1]} : vector<8x128xf32> to vector<1x128xf32>
      %slice3A_459 = vector.extract_strided_slice %get3A_122 {offsets = [5, 0], sizes = [1, 128], strides = [1, 1]} : vector<8x128xf32> to vector<1x128xf32>
      %slice3A_460 = vector.extract_strided_slice %get3A_125 {offsets = [5, 0], sizes = [1, 128], strides = [1, 1]} : vector<8x128xf32> to vector<1x128xf32>
      %slice3A_461 = vector.extract_strided_slice %get3A_128 {offsets = [5, 0], sizes = [1, 128], strides = [1, 1]} : vector<8x128xf32> to vector<1x128xf32>
      %add3A_462 = arith.constant 1.000000e+00 : f32
      %add3A_463 = vector.broadcast %add3A_462 : f32 to vector<1x128xf32>
      %add3A_464 = arith.addf %slice3A_460, %add3A_463 : vector<1x128xf32>
      %add3A_465 = arith.constant 1.000000e+00 : f32
      %add3A_466 = vector.broadcast %add3A_465 : f32 to vector<1x128xf32>
      %add3A_467 = arith.addf %slice3A_461, %add3A_466 : vector<1x128xf32>
      %sub3A_468 = arith.subf %add3A_464, %slice3A_458 : vector<1x128xf32>
      %sub3A_469 = arith.subf %add3A_467, %slice3A_459 : vector<1x128xf32>
      %mul3A_470 = arith.mulf %sub3A_468, %sub3A_469 : vector<1x128xf32>
      %min3A_471 = vector.broadcast %add3A_11 : vector<128x1xf32> to vector<128x128xf32>
      %min3A_472 = vector.broadcast %add3A_464 : vector<1x128xf32> to vector<128x128xf32>
      %min3A_473 = arith.minimumf %min3A_471, %min3A_472 : vector<128x128xf32>
      %max3A_474 = vector.broadcast %get3A_3 : vector<128x1xf32> to vector<128x128xf32>
      %max3A_475 = vector.broadcast %slice3A_458 : vector<1x128xf32> to vector<128x128xf32>
      %max3A_476 = arith.maximumf %max3A_474, %max3A_475 : vector<128x128xf32>
      %sub3A_477 = arith.subf %min3A_473, %max3A_476 : vector<128x128xf32>
      %min3A_478 = vector.broadcast %add3A_17 : vector<128x1xf32> to vector<128x128xf32>
      %min3A_479 = vector.broadcast %add3A_467 : vector<1x128xf32> to vector<128x128xf32>
      %min3A_480 = arith.minimumf %min3A_478, %min3A_479 : vector<128x128xf32>
      %max3A_481 = vector.broadcast %get3A_6 : vector<128x1xf32> to vector<128x128xf32>
      %max3A_482 = vector.broadcast %slice3A_459 : vector<1x128xf32> to vector<128x128xf32>
      %max3A_483 = arith.maximumf %max3A_481, %max3A_482 : vector<128x128xf32>
      %sub3A_484 = arith.subf %min3A_480, %max3A_483 : vector<128x128xf32>
      %max3A_485 = arith.constant 0.000000e+00 : f32
      %max3A_486 = vector.broadcast %max3A_485 : f32 to vector<128x128xf32>
      %max3A_487 = arith.maximumf %sub3A_477, %max3A_486 : vector<128x128xf32>
      %max3A_488 = arith.constant 0.000000e+00 : f32
      %max3A_489 = vector.broadcast %max3A_488 : f32 to vector<128x128xf32>
      %max3A_490 = arith.maximumf %sub3A_484, %max3A_489 : vector<128x128xf32>
      %mul3A_491 = arith.mulf %max3A_487, %max3A_490 : vector<128x128xf32>
      %add3A_492 = vector.broadcast %mul3A : vector<128x1xf32> to vector<128x128xf32>
      %add3A_493 = vector.broadcast %mul3A_470 : vector<1x128xf32> to vector<128x128xf32>
      %add3A_494 = arith.addf %add3A_492, %add3A_493 : vector<128x128xf32>
      %sub3A_495 = arith.subf %add3A_494, %mul3A_491 : vector<128x128xf32>
      %add3A_496 = arith.constant 9.99999997E-7 : f32
      %add3A_497 = vector.broadcast %add3A_496 : f32 to vector<128x128xf32>
      %add3A_498 = arith.addf %sub3A_495, %add3A_497 : vector<128x128xf32>
      %mul3A_499 = arith.constant 5.000000e-01 : f32
      %mul3A_500 = vector.broadcast %mul3A_499 : f32 to vector<128x128xf32>
      %mul3A_501 = arith.mulf %mul3A_500, %add3A_498 : vector<128x128xf32>
      %gt3A_502 = arith.cmpf ogt, %mul3A_491, %mul3A_501 : vector<128x128xf32>
      %convert_element_type3A_503 = arith.extui %gt3A_502 : vector<128x128xi1> to vector<128x128xi32>
      %convert_element_type3A_504 = arith.sitofp %convert_element_type3A_503 : vector<128x128xi32> to vector<128x128xf32>
      %mul3A_505 = vector.broadcast %dot_general3A_84 : vector<128x1xf32> to vector<128x128xf32>
      %mul3A_506 = arith.mulf %convert_element_type3A_504, %mul3A_505 : vector<128x128xf32>
      %reduce_max3A_507 = arith.constant dense<0xFF800000> : vector<128xf32>
      %reduce_max3A_508 = vector.multi_reduction <maximumf>, %mul3A_506, %reduce_max3A_507 [0] : vector<128x128xf32> to vector<128xf32>
      %broadcast_in_dim3A_509 = vector.shape_cast %reduce_max3A_508 : vector<128xf32> to vector<1x128xf32>
      %slice3A_510 = vector.extract_strided_slice %get3A_131 {offsets = [5, 0], sizes = [1, 128], strides = [1, 1]} : vector<8x128xf32> to vector<1x128xf32>
      %lt3A_511 = arith.constant 5.000000e-01 : f32
      %lt3A_512 = vector.broadcast %lt3A_511 : f32 to vector<1x128xf32>
      %lt3A_513 = arith.cmpf olt, %broadcast_in_dim3A_509, %lt3A_512 : vector<1x128xf32>
      %convert_element_type3A_514 = arith.extui %lt3A_513 : vector<1x128xi1> to vector<1x128xi32>
      %convert_element_type3A_515 = arith.sitofp %convert_element_type3A_514 : vector<1x128xi32> to vector<1x128xf32>
      %mul3A_516 = arith.mulf %slice3A_510, %convert_element_type3A_515 : vector<1x128xf32>
      %gt3A_517 = arith.cmpi sgt, %add3A_457, %arg0 : i32
      %select_n3A_518 = arith.select %gt3A_517, %mul3A_516, %slice3A_510 : vector<1x128xf32>
      %mul3A_519 = arith.constant 8 : i32
      %mul3A_520 = arith.muli %while3A_114, %mul3A_519 : i32
      %add3A_521 = arith.constant 6 : i32
      %add3A_522 = arith.addi %mul3A_520, %add3A_521 : i32
      %slice3A_523 = vector.extract_strided_slice %get3A_119 {offsets = [6, 0], sizes = [1, 128], strides = [1, 1]} : vector<8x128xf32> to vector<1x128xf32>
      %slice3A_524 = vector.extract_strided_slice %get3A_122 {offsets = [6, 0], sizes = [1, 128], strides = [1, 1]} : vector<8x128xf32> to vector<1x128xf32>
      %slice3A_525 = vector.extract_strided_slice %get3A_125 {offsets = [6, 0], sizes = [1, 128], strides = [1, 1]} : vector<8x128xf32> to vector<1x128xf32>
      %slice3A_526 = vector.extract_strided_slice %get3A_128 {offsets = [6, 0], sizes = [1, 128], strides = [1, 1]} : vector<8x128xf32> to vector<1x128xf32>
      %add3A_527 = arith.constant 1.000000e+00 : f32
      %add3A_528 = vector.broadcast %add3A_527 : f32 to vector<1x128xf32>
      %add3A_529 = arith.addf %slice3A_525, %add3A_528 : vector<1x128xf32>
      %add3A_530 = arith.constant 1.000000e+00 : f32
      %add3A_531 = vector.broadcast %add3A_530 : f32 to vector<1x128xf32>
      %add3A_532 = arith.addf %slice3A_526, %add3A_531 : vector<1x128xf32>
      %sub3A_533 = arith.subf %add3A_529, %slice3A_523 : vector<1x128xf32>
      %sub3A_534 = arith.subf %add3A_532, %slice3A_524 : vector<1x128xf32>
      %mul3A_535 = arith.mulf %sub3A_533, %sub3A_534 : vector<1x128xf32>
      %min3A_536 = vector.broadcast %add3A_11 : vector<128x1xf32> to vector<128x128xf32>
      %min3A_537 = vector.broadcast %add3A_529 : vector<1x128xf32> to vector<128x128xf32>
      %min3A_538 = arith.minimumf %min3A_536, %min3A_537 : vector<128x128xf32>
      %max3A_539 = vector.broadcast %get3A_3 : vector<128x1xf32> to vector<128x128xf32>
      %max3A_540 = vector.broadcast %slice3A_523 : vector<1x128xf32> to vector<128x128xf32>
      %max3A_541 = arith.maximumf %max3A_539, %max3A_540 : vector<128x128xf32>
      %sub3A_542 = arith.subf %min3A_538, %max3A_541 : vector<128x128xf32>
      %min3A_543 = vector.broadcast %add3A_17 : vector<128x1xf32> to vector<128x128xf32>
      %min3A_544 = vector.broadcast %add3A_532 : vector<1x128xf32> to vector<128x128xf32>
      %min3A_545 = arith.minimumf %min3A_543, %min3A_544 : vector<128x128xf32>
      %max3A_546 = vector.broadcast %get3A_6 : vector<128x1xf32> to vector<128x128xf32>
      %max3A_547 = vector.broadcast %slice3A_524 : vector<1x128xf32> to vector<128x128xf32>
      %max3A_548 = arith.maximumf %max3A_546, %max3A_547 : vector<128x128xf32>
      %sub3A_549 = arith.subf %min3A_545, %max3A_548 : vector<128x128xf32>
      %max3A_550 = arith.constant 0.000000e+00 : f32
      %max3A_551 = vector.broadcast %max3A_550 : f32 to vector<128x128xf32>
      %max3A_552 = arith.maximumf %sub3A_542, %max3A_551 : vector<128x128xf32>
      %max3A_553 = arith.constant 0.000000e+00 : f32
      %max3A_554 = vector.broadcast %max3A_553 : f32 to vector<128x128xf32>
      %max3A_555 = arith.maximumf %sub3A_549, %max3A_554 : vector<128x128xf32>
      %mul3A_556 = arith.mulf %max3A_552, %max3A_555 : vector<128x128xf32>
      %add3A_557 = vector.broadcast %mul3A : vector<128x1xf32> to vector<128x128xf32>
      %add3A_558 = vector.broadcast %mul3A_535 : vector<1x128xf32> to vector<128x128xf32>
      %add3A_559 = arith.addf %add3A_557, %add3A_558 : vector<128x128xf32>
      %sub3A_560 = arith.subf %add3A_559, %mul3A_556 : vector<128x128xf32>
      %add3A_561 = arith.constant 9.99999997E-7 : f32
      %add3A_562 = vector.broadcast %add3A_561 : f32 to vector<128x128xf32>
      %add3A_563 = arith.addf %sub3A_560, %add3A_562 : vector<128x128xf32>
      %mul3A_564 = arith.constant 5.000000e-01 : f32
      %mul3A_565 = vector.broadcast %mul3A_564 : f32 to vector<128x128xf32>
      %mul3A_566 = arith.mulf %mul3A_565, %add3A_563 : vector<128x128xf32>
      %gt3A_567 = arith.cmpf ogt, %mul3A_556, %mul3A_566 : vector<128x128xf32>
      %convert_element_type3A_568 = arith.extui %gt3A_567 : vector<128x128xi1> to vector<128x128xi32>
      %convert_element_type3A_569 = arith.sitofp %convert_element_type3A_568 : vector<128x128xi32> to vector<128x128xf32>
      %mul3A_570 = vector.broadcast %dot_general3A_84 : vector<128x1xf32> to vector<128x128xf32>
      %mul3A_571 = arith.mulf %convert_element_type3A_569, %mul3A_570 : vector<128x128xf32>
      %reduce_max3A_572 = arith.constant dense<0xFF800000> : vector<128xf32>
      %reduce_max3A_573 = vector.multi_reduction <maximumf>, %mul3A_571, %reduce_max3A_572 [0] : vector<128x128xf32> to vector<128xf32>
      %broadcast_in_dim3A_574 = vector.shape_cast %reduce_max3A_573 : vector<128xf32> to vector<1x128xf32>
      %slice3A_575 = vector.extract_strided_slice %get3A_131 {offsets = [6, 0], sizes = [1, 128], strides = [1, 1]} : vector<8x128xf32> to vector<1x128xf32>
      %lt3A_576 = arith.constant 5.000000e-01 : f32
      %lt3A_577 = vector.broadcast %lt3A_576 : f32 to vector<1x128xf32>
      %lt3A_578 = arith.cmpf olt, %broadcast_in_dim3A_574, %lt3A_577 : vector<1x128xf32>
      %convert_element_type3A_579 = arith.extui %lt3A_578 : vector<1x128xi1> to vector<1x128xi32>
      %convert_element_type3A_580 = arith.sitofp %convert_element_type3A_579 : vector<1x128xi32> to vector<1x128xf32>
      %mul3A_581 = arith.mulf %slice3A_575, %convert_element_type3A_580 : vector<1x128xf32>
      %gt3A_582 = arith.cmpi sgt, %add3A_522, %arg0 : i32
      %select_n3A_583 = arith.select %gt3A_582, %mul3A_581, %slice3A_575 : vector<1x128xf32>
      %mul3A_584 = arith.constant 8 : i32
      %mul3A_585 = arith.muli %while3A_114, %mul3A_584 : i32
      %add3A_586 = arith.constant 7 : i32
      %add3A_587 = arith.addi %mul3A_585, %add3A_586 : i32
      %slice3A_588 = vector.extract_strided_slice %get3A_119 {offsets = [7, 0], sizes = [1, 128], strides = [1, 1]} : vector<8x128xf32> to vector<1x128xf32>
      %slice3A_589 = vector.extract_strided_slice %get3A_122 {offsets = [7, 0], sizes = [1, 128], strides = [1, 1]} : vector<8x128xf32> to vector<1x128xf32>
      %slice3A_590 = vector.extract_strided_slice %get3A_125 {offsets = [7, 0], sizes = [1, 128], strides = [1, 1]} : vector<8x128xf32> to vector<1x128xf32>
      %slice3A_591 = vector.extract_strided_slice %get3A_128 {offsets = [7, 0], sizes = [1, 128], strides = [1, 1]} : vector<8x128xf32> to vector<1x128xf32>
      %add3A_592 = arith.constant 1.000000e+00 : f32
      %add3A_593 = vector.broadcast %add3A_592 : f32 to vector<1x128xf32>
      %add3A_594 = arith.addf %slice3A_590, %add3A_593 : vector<1x128xf32>
      %add3A_595 = arith.constant 1.000000e+00 : f32
      %add3A_596 = vector.broadcast %add3A_595 : f32 to vector<1x128xf32>
      %add3A_597 = arith.addf %slice3A_591, %add3A_596 : vector<1x128xf32>
      %sub3A_598 = arith.subf %add3A_594, %slice3A_588 : vector<1x128xf32>
      %sub3A_599 = arith.subf %add3A_597, %slice3A_589 : vector<1x128xf32>
      %mul3A_600 = arith.mulf %sub3A_598, %sub3A_599 : vector<1x128xf32>
      %min3A_601 = vector.broadcast %add3A_11 : vector<128x1xf32> to vector<128x128xf32>
      %min3A_602 = vector.broadcast %add3A_594 : vector<1x128xf32> to vector<128x128xf32>
      %min3A_603 = arith.minimumf %min3A_601, %min3A_602 : vector<128x128xf32>
      %max3A_604 = vector.broadcast %get3A_3 : vector<128x1xf32> to vector<128x128xf32>
      %max3A_605 = vector.broadcast %slice3A_588 : vector<1x128xf32> to vector<128x128xf32>
      %max3A_606 = arith.maximumf %max3A_604, %max3A_605 : vector<128x128xf32>
      %sub3A_607 = arith.subf %min3A_603, %max3A_606 : vector<128x128xf32>
      %min3A_608 = vector.broadcast %add3A_17 : vector<128x1xf32> to vector<128x128xf32>
      %min3A_609 = vector.broadcast %add3A_597 : vector<1x128xf32> to vector<128x128xf32>
      %min3A_610 = arith.minimumf %min3A_608, %min3A_609 : vector<128x128xf32>
      %max3A_611 = vector.broadcast %get3A_6 : vector<128x1xf32> to vector<128x128xf32>
      %max3A_612 = vector.broadcast %slice3A_589 : vector<1x128xf32> to vector<128x128xf32>
      %max3A_613 = arith.maximumf %max3A_611, %max3A_612 : vector<128x128xf32>
      %sub3A_614 = arith.subf %min3A_610, %max3A_613 : vector<128x128xf32>
      %max3A_615 = arith.constant 0.000000e+00 : f32
      %max3A_616 = vector.broadcast %max3A_615 : f32 to vector<128x128xf32>
      %max3A_617 = arith.maximumf %sub3A_607, %max3A_616 : vector<128x128xf32>
      %max3A_618 = arith.constant 0.000000e+00 : f32
      %max3A_619 = vector.broadcast %max3A_618 : f32 to vector<128x128xf32>
      %max3A_620 = arith.maximumf %sub3A_614, %max3A_619 : vector<128x128xf32>
      %mul3A_621 = arith.mulf %max3A_617, %max3A_620 : vector<128x128xf32>
      %add3A_622 = vector.broadcast %mul3A : vector<128x1xf32> to vector<128x128xf32>
      %add3A_623 = vector.broadcast %mul3A_600 : vector<1x128xf32> to vector<128x128xf32>
      %add3A_624 = arith.addf %add3A_622, %add3A_623 : vector<128x128xf32>
      %sub3A_625 = arith.subf %add3A_624, %mul3A_621 : vector<128x128xf32>
      %add3A_626 = arith.constant 9.99999997E-7 : f32
      %add3A_627 = vector.broadcast %add3A_626 : f32 to vector<128x128xf32>
      %add3A_628 = arith.addf %sub3A_625, %add3A_627 : vector<128x128xf32>
      %mul3A_629 = arith.constant 5.000000e-01 : f32
      %mul3A_630 = vector.broadcast %mul3A_629 : f32 to vector<128x128xf32>
      %mul3A_631 = arith.mulf %mul3A_630, %add3A_628 : vector<128x128xf32>
      %gt3A_632 = arith.cmpf ogt, %mul3A_621, %mul3A_631 : vector<128x128xf32>
      %convert_element_type3A_633 = arith.extui %gt3A_632 : vector<128x128xi1> to vector<128x128xi32>
      %convert_element_type3A_634 = arith.sitofp %convert_element_type3A_633 : vector<128x128xi32> to vector<128x128xf32>
      %mul3A_635 = vector.broadcast %dot_general3A_84 : vector<128x1xf32> to vector<128x128xf32>
      %mul3A_636 = arith.mulf %convert_element_type3A_634, %mul3A_635 : vector<128x128xf32>
      %reduce_max3A_637 = arith.constant dense<0xFF800000> : vector<128xf32>
      %reduce_max3A_638 = vector.multi_reduction <maximumf>, %mul3A_636, %reduce_max3A_637 [0] : vector<128x128xf32> to vector<128xf32>
      %broadcast_in_dim3A_639 = vector.shape_cast %reduce_max3A_638 : vector<128xf32> to vector<1x128xf32>
      %slice3A_640 = vector.extract_strided_slice %get3A_131 {offsets = [7, 0], sizes = [1, 128], strides = [1, 1]} : vector<8x128xf32> to vector<1x128xf32>
      %lt3A_641 = arith.constant 5.000000e-01 : f32
      %lt3A_642 = vector.broadcast %lt3A_641 : f32 to vector<1x128xf32>
      %lt3A_643 = arith.cmpf olt, %broadcast_in_dim3A_639, %lt3A_642 : vector<1x128xf32>
      %convert_element_type3A_644 = arith.extui %lt3A_643 : vector<1x128xi1> to vector<1x128xi32>
      %convert_element_type3A_645 = arith.sitofp %convert_element_type3A_644 : vector<1x128xi32> to vector<1x128xf32>
      %mul3A_646 = arith.mulf %slice3A_640, %convert_element_type3A_645 : vector<1x128xf32>
      %gt3A_647 = arith.cmpi sgt, %add3A_587, %arg0 : i32
      %select_n3A_648 = arith.select %gt3A_647, %mul3A_646, %slice3A_640 : vector<1x128xf32>
      %concatenate3A = tpu.concatenate %select_n3A_193, %select_n3A_258, %select_n3A_323, %select_n3A_388, %select_n3A_453, %select_n3A_518, %select_n3A_583, %select_n3A_648 in 0 : vector<1x128xf32>, vector<1x128xf32>, vector<1x128xf32>, vector<1x128xf32>, vector<1x128xf32>, vector<1x128xf32>, vector<1x128xf32>, vector<1x128xf32> -> vector<8x128xf32>
      %swap3A_649 = arith.index_cast %multiple_of3A : i32 to index
      %swap3A_650 = arith.constant 0 : index
      %swap3A_651 = vector.load %arg9[%swap3A_649, %swap3A_650] : memref<40x128xf32, #tpu.memory_space<vmem>>, vector<8x128xf32>
      tpu.vector_store %arg9[%swap3A_649, %swap3A_650], %concatenate3A {strides = array<i32>} : memref<40x128xf32, #tpu.memory_space<vmem>>, vector<8x128xf32>,
    }
    %while3A_113 = arith.constant 1 : i32
    scf.for %while3A_114 = %while3A_111 to %while3A_107 step %while3A_113  : i32 {
      %mul3A_115 = arith.constant 8 : i32
      %mul3A_116 = arith.muli %while3A_114, %mul3A_115 : i32
      %multiple_of3A = tpu.assume_multiple %mul3A_116, 8 : i32
      %get3A_117 = arith.index_cast %multiple_of3A : i32 to index
      %get3A_118 = arith.constant 0 : index
      %get3A_119 = vector.load %arg1[%get3A_117, %get3A_118] : memref<40x128xf32, #tpu.memory_space<vmem>>, vector<8x128xf32>
      %get3A_120 = arith.index_cast %multiple_of3A : i32 to index
      %get3A_121 = arith.constant 0 : index
      %get3A_122 = vector.load %arg2[%get3A_120, %get3A_121] : memref<40x128xf32, #tpu.memory_space<vmem>>, vector<8x128xf32>
      %get3A_123 = arith.index_cast %multiple_of3A : i32 to index
      %get3A_124 = arith.constant 0 : index
      %get3A_125 = vector.load %arg3[%get3A_123, %get3A_124] : memref<40x128xf32, #tpu.memory_space<vmem>>, vector<8x128xf32>
      %get3A_126 = arith.index_cast %multiple_of3A : i32 to index
      %get3A_127 = arith.constant 0 : index
      %get3A_128 = vector.load %arg4[%get3A_126, %get3A_127] : memref<40x128xf32, #tpu.memory_space<vmem>>, vector<8x128xf32>
      %get3A_129 = arith.index_cast %multiple_of3A : i32 to index
      %get3A_130 = arith.constant 0 : index
      %get3A_131 = vector.load %arg9[%get3A_129, %get3A_130] : memref<40x128xf32, #tpu.memory_space<vmem>>, vector<8x128xf32>
      %mul3A_132 = arith.constant 8 : i32
      %mul3A_133 = arith.muli %while3A_114, %mul3A_132 : i32
      %add3A_134 = arith.constant 0 : i32
      %add3A_135 = arith.addi %mul3A_133, %add3A_134 : i32
      %slice3A = vector.extract_strided_slice %get3A_119 {offsets = [0, 0], sizes = [1, 128], strides = [1, 1]} : vector<8x128xf32> to vector<1x128xf32>
      %slice3A_136 = vector.extract_strided_slice %get3A_122 {offsets = [0, 0], sizes = [1, 128], strides = [1, 1]} : vector<8x128xf32> to vector<1x128xf32>
      %slice3A_137 = vector.extract_strided_slice %get3A_125 {offsets = [0, 0], sizes = [1, 128], strides = [1, 1]} : vector<8x128xf32> to vector<1x128xf32>
      %slice3A_138 = vector.extract_strided_slice %get3A_128 {offsets = [0, 0], sizes = [1, 128], strides = [1, 1]} : vector<8x128xf32> to vector<1x128xf32>
      %add3A_139 = arith.constant 1.000000e+00 : f32
      %add3A_140 = vector.broadcast %add3A_139 : f32 to vector<1x128xf32>
      %add3A_141 = arith.addf %slice3A_137, %add3A_140 : vector<1x128xf32>
      %add3A_142 = arith.constant 1.000000e+00 : f32
      %add3A_143 = vector.broadcast %add3A_142 : f32 to vector<1x128xf32>
      %add3A_144 = arith.addf %slice3A_138, %add3A_143 : vector<1x128xf32>
      %sub3A_145 = arith.subf %add3A_141, %slice3A : vector<1x128xf32>
      %sub3A_146 = arith.subf %add3A_144, %slice3A_136 : vector<1x128xf32>
      %mul3A_147 = arith.mulf %sub3A_145, %sub3A_146 : vector<1x128xf32>
      %min3A_148 = vector.broadcast %add3A_11 : vector<128x1xf32> to vector<128x128xf32>
      %min3A_149 = vector.broadcast %add3A_141 : vector<1x128xf32> to vector<128x128xf32>
      %min3A_150 = arith.minimumf %min3A_148, %min3A_149 : vector<128x128xf32>
      %max3A_151 = vector.broadcast %get3A_3 : vector<128x1xf32> to vector<128x128xf32>
      %max3A_152 = vector.broadcast %slice3A : vector<1x128xf32> to vector<128x128xf32>
      %max3A_153 = arith.maximumf %max3A_151, %max3A_152 : vector<128x128xf32>
      %sub3A_154 = arith.subf %min3A_150, %max3A_153 : vector<128x128xf32>
      %min3A_155 = vector.broadcast %add3A_17 : vector<128x1xf32> to vector<128x128xf32>
      %min3A_156 = vector.broadcast %add3A_144 : vector<1x128xf32> to vector<128x128xf32>
      %min3A_157 = arith.minimumf %min3A_155, %min3A_156 : vector<128x128xf32>
      %max3A_158 = vector.broadcast %get3A_6 : vector<128x1xf32> to vector<128x128xf32>
      %max3A_159 = vector.broadcast %slice3A_136 : vector<1x128xf32> to vector<128x128xf32>
      %max3A_160 = arith.maximumf %max3A_158, %max3A_159 : vector<128x128xf32>
      %sub3A_161 = arith.subf %min3A_157, %max3A_160 : vector<128x128xf32>
      %max3A_162 = arith.constant 0.000000e+00 : f32
      %max3A_163 = vector.broadcast %max3A_162 : f32 to vector<128x128xf32>
      %max3A_164 = arith.maximumf %sub3A_154, %max3A_163 : vector<128x128xf32>
      %max3A_165 = arith.constant 0.000000e+00 : f32
      %max3A_166 = vector.broadcast %max3A_165 : f32 to vector<128x128xf32>
      %max3A_167 = arith.maximumf %sub3A_161, %max3A_166 : vector<128x128xf32>
      %mul3A_168 = arith.mulf %max3A_164, %max3A_167 : vector<128x128xf32>
      %add3A_169 = vector.broadcast %mul3A : vector<128x1xf32> to vector<128x128xf32>
      %add3A_170 = vector.broadcast %mul3A_147 : vector<1x128xf32> to vector<128x128xf32>
      %add3A_171 = arith.addf %add3A_169, %add3A_170 : vector<128x128xf32>
      %sub3A_172 = arith.subf %add3A_171, %mul3A_168 : vector<128x128xf32>
      %add3A_173 = arith.constant 9.99999997E-7 : f32
      %add3A_174 = vector.broadcast %add3A_173 : f32 to vector<128x128xf32>
      %add3A_175 = arith.addf %sub3A_172, %add3A_174 : vector<128x128xf32>
      %mul3A_176 = arith.constant 5.000000e-01 : f32
      %mul3A_177 = vector.broadcast %mul3A_176 : f32 to vector<128x128xf32>
      %mul3A_178 = arith.mulf %mul3A_177, %add3A_175 : vector<128x128xf32>
      %gt3A_179 = arith.cmpf ogt, %mul3A_168, %mul3A_178 : vector<128x128xf32>
      %convert_element_type3A_180 = arith.extui %gt3A_179 : vector<128x128xi1> to vector<128x128xi32>
      %convert_element_type3A_181 = arith.sitofp %convert_element_type3A_180 : vector<128x128xi32> to vector<128x128xf32>
      %mul3A_182 = vector.broadcast %dot_general3A_84 : vector<128x1xf32> to vector<128x128xf32>
      %mul3A_183 = arith.mulf %convert_element_type3A_181, %mul3A_182 : vector<128x128xf32>
      %reduce_max3A = arith.constant dense<0xFF800000> : vector<128xf32>
      %reduce_max3A_184 = vector.multi_reduction <maximumf>, %mul3A_183, %reduce_max3A [0] : vector<128x128xf32> to vector<128xf32>
      %broadcast_in_dim3A = vector.shape_cast %reduce_max3A_184 : vector<128xf32> to vector<1x128xf32>
      %slice3A_185 = vector.extract_strided_slice %get3A_131 {offsets = [0, 0], sizes = [1, 128], strides = [1, 1]} : vector<8x128xf32> to vector<1x128xf32>
      %lt3A_186 = arith.constant 5.000000e-01 : f32
      %lt3A_187 = vector.broadcast %lt3A_186 : f32 to vector<1x128xf32>
      %lt3A_188 = arith.cmpf olt, %broadcast_in_dim3A, %lt3A_187 : vector<1x128xf32>
      %convert_element_type3A_189 = arith.extui %lt3A_188 : vector<1x128xi1> to vector<1x128xi32>
      %convert_element_type3A_190 = arith.sitofp %convert_element_type3A_189 : vector<1x128xi32> to vector<1x128xf32>
      %mul3A_191 = arith.mulf %slice3A_185, %convert_element_type3A_190 : vector<1x128xf32>
      %gt3A_192 = arith.cmpi sgt, %add3A_135, %arg0 : i32
      %select_n3A_193 = arith.select %gt3A_192, %mul3A_191, %slice3A_185 : vector<1x128xf32>
      %mul3A_194 = arith.constant 8 : i32
      %mul3A_195 = arith.muli %while3A_114, %mul3A_194 : i32
      %add3A_196 = arith.constant 1 : i32
      %add3A_197 = arith.addi %mul3A_195, %add3A_196 : i32
      %slice3A_198 = vector.extract_strided_slice %get3A_119 {offsets = [1, 0], sizes = [1, 128], strides = [1, 1]} : vector<8x128xf32> to vector<1x128xf32>
      %slice3A_199 = vector.extract_strided_slice %get3A_122 {offsets = [1, 0], sizes = [1, 128], strides = [1, 1]} : vector<8x128xf32> to vector<1x128xf32>
      %slice3A_200 = vector.extract_strided_slice %get3A_125 {offsets = [1, 0], sizes = [1, 128], strides = [1, 1]} : vector<8x128xf32> to vector<1x128xf32>
      %slice3A_201 = vector.extract_strided_slice %get3A_128 {offsets = [1, 0], sizes = [1, 128], strides = [1, 1]} : vector<8x128xf32> to vector<1x128xf32>
      %add3A_202 = arith.constant 1.000000e+00 : f32
      %add3A_203 = vector.broadcast %add3A_202 : f32 to vector<1x128xf32>
      %add3A_204 = arith.addf %slice3A_200, %add3A_203 : vector<1x128xf32>
      %add3A_205 = arith.constant 1.000000e+00 : f32
      %add3A_206 = vector.broadcast %add3A_205 : f32 to vector<1x128xf32>
      %add3A_207 = arith.addf %slice3A_201, %add3A_206 : vector<1x128xf32>
      %sub3A_208 = arith.subf %add3A_204, %slice3A_198 : vector<1x128xf32>
      %sub3A_209 = arith.subf %add3A_207, %slice3A_199 : vector<1x128xf32>
      %mul3A_210 = arith.mulf %sub3A_208, %sub3A_209 : vector<1x128xf32>
      %min3A_211 = vector.broadcast %add3A_11 : vector<128x1xf32> to vector<128x128xf32>
      %min3A_212 = vector.broadcast %add3A_204 : vector<1x128xf32> to vector<128x128xf32>
      %min3A_213 = arith.minimumf %min3A_211, %min3A_212 : vector<128x128xf32>
      %max3A_214 = vector.broadcast %get3A_3 : vector<128x1xf32> to vector<128x128xf32>
      %max3A_215 = vector.broadcast %slice3A_198 : vector<1x128xf32> to vector<128x128xf32>
      %max3A_216 = arith.maximumf %max3A_214, %max3A_215 : vector<128x128xf32>
      %sub3A_217 = arith.subf %min3A_213, %max3A_216 : vector<128x128xf32>
      %min3A_218 = vector.broadcast %add3A_17 : vector<128x1xf32> to vector<128x128xf32>
      %min3A_219 = vector.broadcast %add3A_207 : vector<1x128xf32> to vector<128x128xf32>
      %min3A_220 = arith.minimumf %min3A_218, %min3A_219 : vector<128x128xf32>
      %max3A_221 = vector.broadcast %get3A_6 : vector<128x1xf32> to vector<128x128xf32>
      %max3A_222 = vector.broadcast %slice3A_199 : vector<1x128xf32> to vector<128x128xf32>
      %max3A_223 = arith.maximumf %max3A_221, %max3A_222 : vector<128x128xf32>
      %sub3A_224 = arith.subf %min3A_220, %max3A_223 : vector<128x128xf32>
      %max3A_225 = arith.constant 0.000000e+00 : f32
      %max3A_226 = vector.broadcast %max3A_225 : f32 to vector<128x128xf32>
      %max3A_227 = arith.maximumf %sub3A_217, %max3A_226 : vector<128x128xf32>
      %max3A_228 = arith.constant 0.000000e+00 : f32
      %max3A_229 = vector.broadcast %max3A_228 : f32 to vector<128x128xf32>
      %max3A_230 = arith.maximumf %sub3A_224, %max3A_229 : vector<128x128xf32>
      %mul3A_231 = arith.mulf %max3A_227, %max3A_230 : vector<128x128xf32>
      %add3A_232 = vector.broadcast %mul3A : vector<128x1xf32> to vector<128x128xf32>
      %add3A_233 = vector.broadcast %mul3A_210 : vector<1x128xf32> to vector<128x128xf32>
      %add3A_234 = arith.addf %add3A_232, %add3A_233 : vector<128x128xf32>
      %sub3A_235 = arith.subf %add3A_234, %mul3A_231 : vector<128x128xf32>
      %add3A_236 = arith.constant 9.99999997E-7 : f32
      %add3A_237 = vector.broadcast %add3A_236 : f32 to vector<128x128xf32>
      %add3A_238 = arith.addf %sub3A_235, %add3A_237 : vector<128x128xf32>
      %mul3A_239 = arith.constant 5.000000e-01 : f32
      %mul3A_240 = vector.broadcast %mul3A_239 : f32 to vector<128x128xf32>
      %mul3A_241 = arith.mulf %mul3A_240, %add3A_238 : vector<128x128xf32>
      %gt3A_242 = arith.cmpf ogt, %mul3A_231, %mul3A_241 : vector<128x128xf32>
      %convert_element_type3A_243 = arith.extui %gt3A_242 : vector<128x128xi1> to vector<128x128xi32>
      %convert_element_type3A_244 = arith.sitofp %convert_element_type3A_243 : vector<128x128xi32> to vector<128x128xf32>
      %mul3A_245 = vector.broadcast %dot_general3A_84 : vector<128x1xf32> to vector<128x128xf32>
      %mul3A_246 = arith.mulf %convert_element_type3A_244, %mul3A_245 : vector<128x128xf32>
      %reduce_max3A_247 = arith.constant dense<0xFF800000> : vector<128xf32>
      %reduce_max3A_248 = vector.multi_reduction <maximumf>, %mul3A_246, %reduce_max3A_247 [0] : vector<128x128xf32> to vector<128xf32>
      %broadcast_in_dim3A_249 = vector.shape_cast %reduce_max3A_248 : vector<128xf32> to vector<1x128xf32>
      %slice3A_250 = vector.extract_strided_slice %get3A_131 {offsets = [1, 0], sizes = [1, 128], strides = [1, 1]} : vector<8x128xf32> to vector<1x128xf32>
      %lt3A_251 = arith.constant 5.000000e-01 : f32
      %lt3A_252 = vector.broadcast %lt3A_251 : f32 to vector<1x128xf32>
      %lt3A_253 = arith.cmpf olt, %broadcast_in_dim3A_249, %lt3A_252 : vector<1x128xf32>
      %convert_element_type3A_254 = arith.extui %lt3A_253 : vector<1x128xi1> to vector<1x128xi32>
      %convert_element_type3A_255 = arith.sitofp %convert_element_type3A_254 : vector<1x128xi32> to vector<1x128xf32>
      %mul3A_256 = arith.mulf %slice3A_250, %convert_element_type3A_255 : vector<1x128xf32>
      %gt3A_257 = arith.cmpi sgt, %add3A_197, %arg0 : i32
      %select_n3A_258 = arith.select %gt3A_257, %mul3A_256, %slice3A_250 : vector<1x128xf32>
      %mul3A_259 = arith.constant 8 : i32
      %mul3A_260 = arith.muli %while3A_114, %mul3A_259 : i32
      %add3A_261 = arith.constant 2 : i32
      %add3A_262 = arith.addi %mul3A_260, %add3A_261 : i32
      %slice3A_263 = vector.extract_strided_slice %get3A_119 {offsets = [2, 0], sizes = [1, 128], strides = [1, 1]} : vector<8x128xf32> to vector<1x128xf32>
      %slice3A_264 = vector.extract_strided_slice %get3A_122 {offsets = [2, 0], sizes = [1, 128], strides = [1, 1]} : vector<8x128xf32> to vector<1x128xf32>
      %slice3A_265 = vector.extract_strided_slice %get3A_125 {offsets = [2, 0], sizes = [1, 128], strides = [1, 1]} : vector<8x128xf32> to vector<1x128xf32>
      %slice3A_266 = vector.extract_strided_slice %get3A_128 {offsets = [2, 0], sizes = [1, 128], strides = [1, 1]} : vector<8x128xf32> to vector<1x128xf32>
      %add3A_267 = arith.constant 1.000000e+00 : f32
      %add3A_268 = vector.broadcast %add3A_267 : f32 to vector<1x128xf32>
      %add3A_269 = arith.addf %slice3A_265, %add3A_268 : vector<1x128xf32>
      %add3A_270 = arith.constant 1.000000e+00 : f32
      %add3A_271 = vector.broadcast %add3A_270 : f32 to vector<1x128xf32>
      %add3A_272 = arith.addf %slice3A_266, %add3A_271 : vector<1x128xf32>
      %sub3A_273 = arith.subf %add3A_269, %slice3A_263 : vector<1x128xf32>
      %sub3A_274 = arith.subf %add3A_272, %slice3A_264 : vector<1x128xf32>
      %mul3A_275 = arith.mulf %sub3A_273, %sub3A_274 : vector<1x128xf32>
      %min3A_276 = vector.broadcast %add3A_11 : vector<128x1xf32> to vector<128x128xf32>
      %min3A_277 = vector.broadcast %add3A_269 : vector<1x128xf32> to vector<128x128xf32>
      %min3A_278 = arith.minimumf %min3A_276, %min3A_277 : vector<128x128xf32>
      %max3A_279 = vector.broadcast %get3A_3 : vector<128x1xf32> to vector<128x128xf32>
      %max3A_280 = vector.broadcast %slice3A_263 : vector<1x128xf32> to vector<128x128xf32>
      %max3A_281 = arith.maximumf %max3A_279, %max3A_280 : vector<128x128xf32>
      %sub3A_282 = arith.subf %min3A_278, %max3A_281 : vector<128x128xf32>
      %min3A_283 = vector.broadcast %add3A_17 : vector<128x1xf32> to vector<128x128xf32>
      %min3A_284 = vector.broadcast %add3A_272 : vector<1x128xf32> to vector<128x128xf32>
      %min3A_285 = arith.minimumf %min3A_283, %min3A_284 : vector<128x128xf32>
      %max3A_286 = vector.broadcast %get3A_6 : vector<128x1xf32> to vector<128x128xf32>
      %max3A_287 = vector.broadcast %slice3A_264 : vector<1x128xf32> to vector<128x128xf32>
      %max3A_288 = arith.maximumf %max3A_286, %max3A_287 : vector<128x128xf32>
      %sub3A_289 = arith.subf %min3A_285, %max3A_288 : vector<128x128xf32>
      %max3A_290 = arith.constant 0.000000e+00 : f32
      %max3A_291 = vector.broadcast %max3A_290 : f32 to vector<128x128xf32>
      %max3A_292 = arith.maximumf %sub3A_282, %max3A_291 : vector<128x128xf32>
      %max3A_293 = arith.constant 0.000000e+00 : f32
      %max3A_294 = vector.broadcast %max3A_293 : f32 to vector<128x128xf32>
      %max3A_295 = arith.maximumf %sub3A_289, %max3A_294 : vector<128x128xf32>
      %mul3A_296 = arith.mulf %max3A_292, %max3A_295 : vector<128x128xf32>
      %add3A_297 = vector.broadcast %mul3A : vector<128x1xf32> to vector<128x128xf32>
      %add3A_298 = vector.broadcast %mul3A_275 : vector<1x128xf32> to vector<128x128xf32>
      %add3A_299 = arith.addf %add3A_297, %add3A_298 : vector<128x128xf32>
      %sub3A_300 = arith.subf %add3A_299, %mul3A_296 : vector<128x128xf32>
      %add3A_301 = arith.constant 9.99999997E-7 : f32
      %add3A_302 = vector.broadcast %add3A_301 : f32 to vector<128x128xf32>
      %add3A_303 = arith.addf %sub3A_300, %add3A_302 : vector<128x128xf32>
      %mul3A_304 = arith.constant 5.000000e-01 : f32
      %mul3A_305 = vector.broadcast %mul3A_304 : f32 to vector<128x128xf32>
      %mul3A_306 = arith.mulf %mul3A_305, %add3A_303 : vector<128x128xf32>
      %gt3A_307 = arith.cmpf ogt, %mul3A_296, %mul3A_306 : vector<128x128xf32>
      %convert_element_type3A_308 = arith.extui %gt3A_307 : vector<128x128xi1> to vector<128x128xi32>
      %convert_element_type3A_309 = arith.sitofp %convert_element_type3A_308 : vector<128x128xi32> to vector<128x128xf32>
      %mul3A_310 = vector.broadcast %dot_general3A_84 : vector<128x1xf32> to vector<128x128xf32>
      %mul3A_311 = arith.mulf %convert_element_type3A_309, %mul3A_310 : vector<128x128xf32>
      %reduce_max3A_312 = arith.constant dense<0xFF800000> : vector<128xf32>
      %reduce_max3A_313 = vector.multi_reduction <maximumf>, %mul3A_311, %reduce_max3A_312 [0] : vector<128x128xf32> to vector<128xf32>
      %broadcast_in_dim3A_314 = vector.shape_cast %reduce_max3A_313 : vector<128xf32> to vector<1x128xf32>
      %slice3A_315 = vector.extract_strided_slice %get3A_131 {offsets = [2, 0], sizes = [1, 128], strides = [1, 1]} : vector<8x128xf32> to vector<1x128xf32>
      %lt3A_316 = arith.constant 5.000000e-01 : f32
      %lt3A_317 = vector.broadcast %lt3A_316 : f32 to vector<1x128xf32>
      %lt3A_318 = arith.cmpf olt, %broadcast_in_dim3A_314, %lt3A_317 : vector<1x128xf32>
      %convert_element_type3A_319 = arith.extui %lt3A_318 : vector<1x128xi1> to vector<1x128xi32>
      %convert_element_type3A_320 = arith.sitofp %convert_element_type3A_319 : vector<1x128xi32> to vector<1x128xf32>
      %mul3A_321 = arith.mulf %slice3A_315, %convert_element_type3A_320 : vector<1x128xf32>
      %gt3A_322 = arith.cmpi sgt, %add3A_262, %arg0 : i32
      %select_n3A_323 = arith.select %gt3A_322, %mul3A_321, %slice3A_315 : vector<1x128xf32>
      %mul3A_324 = arith.constant 8 : i32
      %mul3A_325 = arith.muli %while3A_114, %mul3A_324 : i32
      %add3A_326 = arith.constant 3 : i32
      %add3A_327 = arith.addi %mul3A_325, %add3A_326 : i32
      %slice3A_328 = vector.extract_strided_slice %get3A_119 {offsets = [3, 0], sizes = [1, 128], strides = [1, 1]} : vector<8x128xf32> to vector<1x128xf32>
      %slice3A_329 = vector.extract_strided_slice %get3A_122 {offsets = [3, 0], sizes = [1, 128], strides = [1, 1]} : vector<8x128xf32> to vector<1x128xf32>
      %slice3A_330 = vector.extract_strided_slice %get3A_125 {offsets = [3, 0], sizes = [1, 128], strides = [1, 1]} : vector<8x128xf32> to vector<1x128xf32>
      %slice3A_331 = vector.extract_strided_slice %get3A_128 {offsets = [3, 0], sizes = [1, 128], strides = [1, 1]} : vector<8x128xf32> to vector<1x128xf32>
      %add3A_332 = arith.constant 1.000000e+00 : f32
      %add3A_333 = vector.broadcast %add3A_332 : f32 to vector<1x128xf32>
      %add3A_334 = arith.addf %slice3A_330, %add3A_333 : vector<1x128xf32>
      %add3A_335 = arith.constant 1.000000e+00 : f32
      %add3A_336 = vector.broadcast %add3A_335 : f32 to vector<1x128xf32>
      %add3A_337 = arith.addf %slice3A_331, %add3A_336 : vector<1x128xf32>
      %sub3A_338 = arith.subf %add3A_334, %slice3A_328 : vector<1x128xf32>
      %sub3A_339 = arith.subf %add3A_337, %slice3A_329 : vector<1x128xf32>
      %mul3A_340 = arith.mulf %sub3A_338, %sub3A_339 : vector<1x128xf32>
      %min3A_341 = vector.broadcast %add3A_11 : vector<128x1xf32> to vector<128x128xf32>
      %min3A_342 = vector.broadcast %add3A_334 : vector<1x128xf32> to vector<128x128xf32>
      %min3A_343 = arith.minimumf %min3A_341, %min3A_342 : vector<128x128xf32>
      %max3A_344 = vector.broadcast %get3A_3 : vector<128x1xf32> to vector<128x128xf32>
      %max3A_345 = vector.broadcast %slice3A_328 : vector<1x128xf32> to vector<128x128xf32>
      %max3A_346 = arith.maximumf %max3A_344, %max3A_345 : vector<128x128xf32>
      %sub3A_347 = arith.subf %min3A_343, %max3A_346 : vector<128x128xf32>
      %min3A_348 = vector.broadcast %add3A_17 : vector<128x1xf32> to vector<128x128xf32>
      %min3A_349 = vector.broadcast %add3A_337 : vector<1x128xf32> to vector<128x128xf32>
      %min3A_350 = arith.minimumf %min3A_348, %min3A_349 : vector<128x128xf32>
      %max3A_351 = vector.broadcast %get3A_6 : vector<128x1xf32> to vector<128x128xf32>
      %max3A_352 = vector.broadcast %slice3A_329 : vector<1x128xf32> to vector<128x128xf32>
      %max3A_353 = arith.maximumf %max3A_351, %max3A_352 : vector<128x128xf32>
      %sub3A_354 = arith.subf %min3A_350, %max3A_353 : vector<128x128xf32>
      %max3A_355 = arith.constant 0.000000e+00 : f32
      %max3A_356 = vector.broadcast %max3A_355 : f32 to vector<128x128xf32>
      %max3A_357 = arith.maximumf %sub3A_347, %max3A_356 : vector<128x128xf32>
      %max3A_358 = arith.constant 0.000000e+00 : f32
      %max3A_359 = vector.broadcast %max3A_358 : f32 to vector<128x128xf32>
      %max3A_360 = arith.maximumf %sub3A_354, %max3A_359 : vector<128x128xf32>
      %mul3A_361 = arith.mulf %max3A_357, %max3A_360 : vector<128x128xf32>
      %add3A_362 = vector.broadcast %mul3A : vector<128x1xf32> to vector<128x128xf32>
      %add3A_363 = vector.broadcast %mul3A_340 : vector<1x128xf32> to vector<128x128xf32>
      %add3A_364 = arith.addf %add3A_362, %add3A_363 : vector<128x128xf32>
      %sub3A_365 = arith.subf %add3A_364, %mul3A_361 : vector<128x128xf32>
      %add3A_366 = arith.constant 9.99999997E-7 : f32
      %add3A_367 = vector.broadcast %add3A_366 : f32 to vector<128x128xf32>
      %add3A_368 = arith.addf %sub3A_365, %add3A_367 : vector<128x128xf32>
      %mul3A_369 = arith.constant 5.000000e-01 : f32
      %mul3A_370 = vector.broadcast %mul3A_369 : f32 to vector<128x128xf32>
      %mul3A_371 = arith.mulf %mul3A_370, %add3A_368 : vector<128x128xf32>
      %gt3A_372 = arith.cmpf ogt, %mul3A_361, %mul3A_371 : vector<128x128xf32>
      %convert_element_type3A_373 = arith.extui %gt3A_372 : vector<128x128xi1> to vector<128x128xi32>
      %convert_element_type3A_374 = arith.sitofp %convert_element_type3A_373 : vector<128x128xi32> to vector<128x128xf32>
      %mul3A_375 = vector.broadcast %dot_general3A_84 : vector<128x1xf32> to vector<128x128xf32>
      %mul3A_376 = arith.mulf %convert_element_type3A_374, %mul3A_375 : vector<128x128xf32>
      %reduce_max3A_377 = arith.constant dense<0xFF800000> : vector<128xf32>
      %reduce_max3A_378 = vector.multi_reduction <maximumf>, %mul3A_376, %reduce_max3A_377 [0] : vector<128x128xf32> to vector<128xf32>
      %broadcast_in_dim3A_379 = vector.shape_cast %reduce_max3A_378 : vector<128xf32> to vector<1x128xf32>
      %slice3A_380 = vector.extract_strided_slice %get3A_131 {offsets = [3, 0], sizes = [1, 128], strides = [1, 1]} : vector<8x128xf32> to vector<1x128xf32>
      %lt3A_381 = arith.constant 5.000000e-01 : f32
      %lt3A_382 = vector.broadcast %lt3A_381 : f32 to vector<1x128xf32>
      %lt3A_383 = arith.cmpf olt, %broadcast_in_dim3A_379, %lt3A_382 : vector<1x128xf32>
      %convert_element_type3A_384 = arith.extui %lt3A_383 : vector<1x128xi1> to vector<1x128xi32>
      %convert_element_type3A_385 = arith.sitofp %convert_element_type3A_384 : vector<1x128xi32> to vector<1x128xf32>
      %mul3A_386 = arith.mulf %slice3A_380, %convert_element_type3A_385 : vector<1x128xf32>
      %gt3A_387 = arith.cmpi sgt, %add3A_327, %arg0 : i32
      %select_n3A_388 = arith.select %gt3A_387, %mul3A_386, %slice3A_380 : vector<1x128xf32>
      %mul3A_389 = arith.constant 8 : i32
      %mul3A_390 = arith.muli %while3A_114, %mul3A_389 : i32
      %add3A_391 = arith.constant 4 : i32
      %add3A_392 = arith.addi %mul3A_390, %add3A_391 : i32
      %slice3A_393 = vector.extract_strided_slice %get3A_119 {offsets = [4, 0], sizes = [1, 128], strides = [1, 1]} : vector<8x128xf32> to vector<1x128xf32>
      %slice3A_394 = vector.extract_strided_slice %get3A_122 {offsets = [4, 0], sizes = [1, 128], strides = [1, 1]} : vector<8x128xf32> to vector<1x128xf32>
      %slice3A_395 = vector.extract_strided_slice %get3A_125 {offsets = [4, 0], sizes = [1, 128], strides = [1, 1]} : vector<8x128xf32> to vector<1x128xf32>
      %slice3A_396 = vector.extract_strided_slice %get3A_128 {offsets = [4, 0], sizes = [1, 128], strides = [1, 1]} : vector<8x128xf32> to vector<1x128xf32>
      %add3A_397 = arith.constant 1.000000e+00 : f32
      %add3A_398 = vector.broadcast %add3A_397 : f32 to vector<1x128xf32>
      %add3A_399 = arith.addf %slice3A_395, %add3A_398 : vector<1x128xf32>
      %add3A_400 = arith.constant 1.000000e+00 : f32
      %add3A_401 = vector.broadcast %add3A_400 : f32 to vector<1x128xf32>
      %add3A_402 = arith.addf %slice3A_396, %add3A_401 : vector<1x128xf32>
      %sub3A_403 = arith.subf %add3A_399, %slice3A_393 : vector<1x128xf32>
      %sub3A_404 = arith.subf %add3A_402, %slice3A_394 : vector<1x128xf32>
      %mul3A_405 = arith.mulf %sub3A_403, %sub3A_404 : vector<1x128xf32>
      %min3A_406 = vector.broadcast %add3A_11 : vector<128x1xf32> to vector<128x128xf32>
      %min3A_407 = vector.broadcast %add3A_399 : vector<1x128xf32> to vector<128x128xf32>
      %min3A_408 = arith.minimumf %min3A_406, %min3A_407 : vector<128x128xf32>
      %max3A_409 = vector.broadcast %get3A_3 : vector<128x1xf32> to vector<128x128xf32>
      %max3A_410 = vector.broadcast %slice3A_393 : vector<1x128xf32> to vector<128x128xf32>
      %max3A_411 = arith.maximumf %max3A_409, %max3A_410 : vector<128x128xf32>
      %sub3A_412 = arith.subf %min3A_408, %max3A_411 : vector<128x128xf32>
      %min3A_413 = vector.broadcast %add3A_17 : vector<128x1xf32> to vector<128x128xf32>
      %min3A_414 = vector.broadcast %add3A_402 : vector<1x128xf32> to vector<128x128xf32>
      %min3A_415 = arith.minimumf %min3A_413, %min3A_414 : vector<128x128xf32>
      %max3A_416 = vector.broadcast %get3A_6 : vector<128x1xf32> to vector<128x128xf32>
      %max3A_417 = vector.broadcast %slice3A_394 : vector<1x128xf32> to vector<128x128xf32>
      %max3A_418 = arith.maximumf %max3A_416, %max3A_417 : vector<128x128xf32>
      %sub3A_419 = arith.subf %min3A_415, %max3A_418 : vector<128x128xf32>
      %max3A_420 = arith.constant 0.000000e+00 : f32
      %max3A_421 = vector.broadcast %max3A_420 : f32 to vector<128x128xf32>
      %max3A_422 = arith.maximumf %sub3A_412, %max3A_421 : vector<128x128xf32>
      %max3A_423 = arith.constant 0.000000e+00 : f32
      %max3A_424 = vector.broadcast %max3A_423 : f32 to vector<128x128xf32>
      %max3A_425 = arith.maximumf %sub3A_419, %max3A_424 : vector<128x128xf32>
      %mul3A_426 = arith.mulf %max3A_422, %max3A_425 : vector<128x128xf32>
      %add3A_427 = vector.broadcast %mul3A : vector<128x1xf32> to vector<128x128xf32>
      %add3A_428 = vector.broadcast %mul3A_405 : vector<1x128xf32> to vector<128x128xf32>
      %add3A_429 = arith.addf %add3A_427, %add3A_428 : vector<128x128xf32>
      %sub3A_430 = arith.subf %add3A_429, %mul3A_426 : vector<128x128xf32>
      %add3A_431 = arith.constant 9.99999997E-7 : f32
      %add3A_432 = vector.broadcast %add3A_431 : f32 to vector<128x128xf32>
      %add3A_433 = arith.addf %sub3A_430, %add3A_432 : vector<128x128xf32>
      %mul3A_434 = arith.constant 5.000000e-01 : f32
      %mul3A_435 = vector.broadcast %mul3A_434 : f32 to vector<128x128xf32>
      %mul3A_436 = arith.mulf %mul3A_435, %add3A_433 : vector<128x128xf32>
      %gt3A_437 = arith.cmpf ogt, %mul3A_426, %mul3A_436 : vector<128x128xf32>
      %convert_element_type3A_438 = arith.extui %gt3A_437 : vector<128x128xi1> to vector<128x128xi32>
      %convert_element_type3A_439 = arith.sitofp %convert_element_type3A_438 : vector<128x128xi32> to vector<128x128xf32>
      %mul3A_440 = vector.broadcast %dot_general3A_84 : vector<128x1xf32> to vector<128x128xf32>
      %mul3A_441 = arith.mulf %convert_element_type3A_439, %mul3A_440 : vector<128x128xf32>
      %reduce_max3A_442 = arith.constant dense<0xFF800000> : vector<128xf32>
      %reduce_max3A_443 = vector.multi_reduction <maximumf>, %mul3A_441, %reduce_max3A_442 [0] : vector<128x128xf32> to vector<128xf32>
      %broadcast_in_dim3A_444 = vector.shape_cast %reduce_max3A_443 : vector<128xf32> to vector<1x128xf32>
      %slice3A_445 = vector.extract_strided_slice %get3A_131 {offsets = [4, 0], sizes = [1, 128], strides = [1, 1]} : vector<8x128xf32> to vector<1x128xf32>
      %lt3A_446 = arith.constant 5.000000e-01 : f32
      %lt3A_447 = vector.broadcast %lt3A_446 : f32 to vector<1x128xf32>
      %lt3A_448 = arith.cmpf olt, %broadcast_in_dim3A_444, %lt3A_447 : vector<1x128xf32>
      %convert_element_type3A_449 = arith.extui %lt3A_448 : vector<1x128xi1> to vector<1x128xi32>
      %convert_element_type3A_450 = arith.sitofp %convert_element_type3A_449 : vector<1x128xi32> to vector<1x128xf32>
      %mul3A_451 = arith.mulf %slice3A_445, %convert_element_type3A_450 : vector<1x128xf32>
      %gt3A_452 = arith.cmpi sgt, %add3A_392, %arg0 : i32
      %select_n3A_453 = arith.select %gt3A_452, %mul3A_451, %slice3A_445 : vector<1x128xf32>
      %mul3A_454 = arith.constant 8 : i32
      %mul3A_455 = arith.muli %while3A_114, %mul3A_454 : i32
      %add3A_456 = arith.constant 5 : i32
      %add3A_457 = arith.addi %mul3A_455, %add3A_456 : i32
      %slice3A_458 = vector.extract_strided_slice %get3A_119 {offsets = [5, 0], sizes = [1, 128], strides = [1, 1]} : vector<8x128xf32> to vector<1x128xf32>
      %slice3A_459 = vector.extract_strided_slice %get3A_122 {offsets = [5, 0], sizes = [1, 128], strides = [1, 1]} : vector<8x128xf32> to vector<1x128xf32>
      %slice3A_460 = vector.extract_strided_slice %get3A_125 {offsets = [5, 0], sizes = [1, 128], strides = [1, 1]} : vector<8x128xf32> to vector<1x128xf32>
      %slice3A_461 = vector.extract_strided_slice %get3A_128 {offsets = [5, 0], sizes = [1, 128], strides = [1, 1]} : vector<8x128xf32> to vector<1x128xf32>
      %add3A_462 = arith.constant 1.000000e+00 : f32
      %add3A_463 = vector.broadcast %add3A_462 : f32 to vector<1x128xf32>
      %add3A_464 = arith.addf %slice3A_460, %add3A_463 : vector<1x128xf32>
      %add3A_465 = arith.constant 1.000000e+00 : f32
      %add3A_466 = vector.broadcast %add3A_465 : f32 to vector<1x128xf32>
      %add3A_467 = arith.addf %slice3A_461, %add3A_466 : vector<1x128xf32>
      %sub3A_468 = arith.subf %add3A_464, %slice3A_458 : vector<1x128xf32>
      %sub3A_469 = arith.subf %add3A_467, %slice3A_459 : vector<1x128xf32>
      %mul3A_470 = arith.mulf %sub3A_468, %sub3A_469 : vector<1x128xf32>
      %min3A_471 = vector.broadcast %add3A_11 : vector<128x1xf32> to vector<128x128xf32>
      %min3A_472 = vector.broadcast %add3A_464 : vector<1x128xf32> to vector<128x128xf32>
      %min3A_473 = arith.minimumf %min3A_471, %min3A_472 : vector<128x128xf32>
      %max3A_474 = vector.broadcast %get3A_3 : vector<128x1xf32> to vector<128x128xf32>
      %max3A_475 = vector.broadcast %slice3A_458 : vector<1x128xf32> to vector<128x128xf32>
      %max3A_476 = arith.maximumf %max3A_474, %max3A_475 : vector<128x128xf32>
      %sub3A_477 = arith.subf %min3A_473, %max3A_476 : vector<128x128xf32>
      %min3A_478 = vector.broadcast %add3A_17 : vector<128x1xf32> to vector<128x128xf32>
      %min3A_479 = vector.broadcast %add3A_467 : vector<1x128xf32> to vector<128x128xf32>
      %min3A_480 = arith.minimumf %min3A_478, %min3A_479 : vector<128x128xf32>
      %max3A_481 = vector.broadcast %get3A_6 : vector<128x1xf32> to vector<128x128xf32>
      %max3A_482 = vector.broadcast %slice3A_459 : vector<1x128xf32> to vector<128x128xf32>
      %max3A_483 = arith.maximumf %max3A_481, %max3A_482 : vector<128x128xf32>
      %sub3A_484 = arith.subf %min3A_480, %max3A_483 : vector<128x128xf32>
      %max3A_485 = arith.constant 0.000000e+00 : f32
      %max3A_486 = vector.broadcast %max3A_485 : f32 to vector<128x128xf32>
      %max3A_487 = arith.maximumf %sub3A_477, %max3A_486 : vector<128x128xf32>
      %max3A_488 = arith.constant 0.000000e+00 : f32
      %max3A_489 = vector.broadcast %max3A_488 : f32 to vector<128x128xf32>
      %max3A_490 = arith.maximumf %sub3A_484, %max3A_489 : vector<128x128xf32>
      %mul3A_491 = arith.mulf %max3A_487, %max3A_490 : vector<128x128xf32>
      %add3A_492 = vector.broadcast %mul3A : vector<128x1xf32> to vector<128x128xf32>
      %add3A_493 = vector.broadcast %mul3A_470 : vector<1x128xf32> to vector<128x128xf32>
      %add3A_494 = arith.addf %add3A_492, %add3A_493 : vector<128x128xf32>
      %sub3A_495 = arith.subf %add3A_494, %mul3A_491 : vector<128x128xf32>
      %add3A_496 = arith.constant 9.99999997E-7 : f32
      %add3A_497 = vector.broadcast %add3A_496 : f32 to vector<128x128xf32>
      %add3A_498 = arith.addf %sub3A_495, %add3A_497 : vector<128x128xf32>
      %mul3A_499 = arith.constant 5.000000e-01 : f32
      %mul3A_500 = vector.broadcast %mul3A_499 : f32 to vector<128x128xf32>
      %mul3A_501 = arith.mulf %mul3A_500, %add3A_498 : vector<128x128xf32>
      %gt3A_502 = arith.cmpf ogt, %mul3A_491, %mul3A_501 : vector<128x128xf32>
      %convert_element_type3A_503 = arith.extui %gt3A_502 : vector<128x128xi1> to vector<128x128xi32>
      %convert_element_type3A_504 = arith.sitofp %convert_element_type3A_503 : vector<128x128xi32> to vector<128x128xf32>
      %mul3A_505 = vector.broadcast %dot_general3A_84 : vector<128x1xf32> to vector<128x128xf32>
      %mul3A_506 = arith.mulf %convert_element_type3A_504, %mul3A_505 : vector<128x128xf32>
      %reduce_max3A_507 = arith.constant dense<0xFF800000> : vector<128xf32>
      %reduce_max3A_508 = vector.multi_reduction <maximumf>, %mul3A_506, %reduce_max3A_507 [0] : vector<128x128xf32> to vector<128xf32>
      %broadcast_in_dim3A_509 = vector.shape_cast %reduce_max3A_508 : vector<128xf32> to vector<1x128xf32>
      %slice3A_510 = vector.extract_strided_slice %get3A_131 {offsets = [5, 0], sizes = [1, 128], strides = [1, 1]} : vector<8x128xf32> to vector<1x128xf32>
      %lt3A_511 = arith.constant 5.000000e-01 : f32
      %lt3A_512 = vector.broadcast %lt3A_511 : f32 to vector<1x128xf32>
      %lt3A_513 = arith.cmpf olt, %broadcast_in_dim3A_509, %lt3A_512 : vector<1x128xf32>
      %convert_element_type3A_514 = arith.extui %lt3A_513 : vector<1x128xi1> to vector<1x128xi32>
      %convert_element_type3A_515 = arith.sitofp %convert_element_type3A_514 : vector<1x128xi32> to vector<1x128xf32>
      %mul3A_516 = arith.mulf %slice3A_510, %convert_element_type3A_515 : vector<1x128xf32>
      %gt3A_517 = arith.cmpi sgt, %add3A_457, %arg0 : i32
      %select_n3A_518 = arith.select %gt3A_517, %mul3A_516, %slice3A_510 : vector<1x128xf32>
      %mul3A_519 = arith.constant 8 : i32
      %mul3A_520 = arith.muli %while3A_114, %mul3A_519 : i32
      %add3A_521 = arith.constant 6 : i32
      %add3A_522 = arith.addi %mul3A_520, %add3A_521 : i32
      %slice3A_523 = vector.extract_strided_slice %get3A_119 {offsets = [6, 0], sizes = [1, 128], strides = [1, 1]} : vector<8x128xf32> to vector<1x128xf32>
      %slice3A_524 = vector.extract_strided_slice %get3A_122 {offsets = [6, 0], sizes = [1, 128], strides = [1, 1]} : vector<8x128xf32> to vector<1x128xf32>
      %slice3A_525 = vector.extract_strided_slice %get3A_125 {offsets = [6, 0], sizes = [1, 128], strides = [1, 1]} : vector<8x128xf32> to vector<1x128xf32>
      %slice3A_526 = vector.extract_strided_slice %get3A_128 {offsets = [6, 0], sizes = [1, 128], strides = [1, 1]} : vector<8x128xf32> to vector<1x128xf32>
      %add3A_527 = arith.constant 1.000000e+00 : f32
      %add3A_528 = vector.broadcast %add3A_527 : f32 to vector<1x128xf32>
      %add3A_529 = arith.addf %slice3A_525, %add3A_528 : vector<1x128xf32>
      %add3A_530 = arith.constant 1.000000e+00 : f32
      %add3A_531 = vector.broadcast %add3A_530 : f32 to vector<1x128xf32>
      %add3A_532 = arith.addf %slice3A_526, %add3A_531 : vector<1x128xf32>
      %sub3A_533 = arith.subf %add3A_529, %slice3A_523 : vector<1x128xf32>
      %sub3A_534 = arith.subf %add3A_532, %slice3A_524 : vector<1x128xf32>
      %mul3A_535 = arith.mulf %sub3A_533, %sub3A_534 : vector<1x128xf32>
      %min3A_536 = vector.broadcast %add3A_11 : vector<128x1xf32> to vector<128x128xf32>
      %min3A_537 = vector.broadcast %add3A_529 : vector<1x128xf32> to vector<128x128xf32>
      %min3A_538 = arith.minimumf %min3A_536, %min3A_537 : vector<128x128xf32>
      %max3A_539 = vector.broadcast %get3A_3 : vector<128x1xf32> to vector<128x128xf32>
      %max3A_540 = vector.broadcast %slice3A_523 : vector<1x128xf32> to vector<128x128xf32>
      %max3A_541 = arith.maximumf %max3A_539, %max3A_540 : vector<128x128xf32>
      %sub3A_542 = arith.subf %min3A_538, %max3A_541 : vector<128x128xf32>
      %min3A_543 = vector.broadcast %add3A_17 : vector<128x1xf32> to vector<128x128xf32>
      %min3A_544 = vector.broadcast %add3A_532 : vector<1x128xf32> to vector<128x128xf32>
      %min3A_545 = arith.minimumf %min3A_543, %min3A_544 : vector<128x128xf32>
      %max3A_546 = vector.broadcast %get3A_6 : vector<128x1xf32> to vector<128x128xf32>
      %max3A_547 = vector.broadcast %slice3A_524 : vector<1x128xf32> to vector<128x128xf32>
      %max3A_548 = arith.maximumf %max3A_546, %max3A_547 : vector<128x128xf32>
      %sub3A_549 = arith.subf %min3A_545, %max3A_548 : vector<128x128xf32>
      %max3A_550 = arith.constant 0.000000e+00 : f32
      %max3A_551 = vector.broadcast %max3A_550 : f32 to vector<128x128xf32>
      %max3A_552 = arith.maximumf %sub3A_542, %max3A_551 : vector<128x128xf32>
      %max3A_553 = arith.constant 0.000000e+00 : f32
      %max3A_554 = vector.broadcast %max3A_553 : f32 to vector<128x128xf32>
      %max3A_555 = arith.maximumf %sub3A_549, %max3A_554 : vector<128x128xf32>
      %mul3A_556 = arith.mulf %max3A_552, %max3A_555 : vector<128x128xf32>
      %add3A_557 = vector.broadcast %mul3A : vector<128x1xf32> to vector<128x128xf32>
      %add3A_558 = vector.broadcast %mul3A_535 : vector<1x128xf32> to vector<128x128xf32>
      %add3A_559 = arith.addf %add3A_557, %add3A_558 : vector<128x128xf32>
      %sub3A_560 = arith.subf %add3A_559, %mul3A_556 : vector<128x128xf32>
      %add3A_561 = arith.constant 9.99999997E-7 : f32
      %add3A_562 = vector.broadcast %add3A_561 : f32 to vector<128x128xf32>
      %add3A_563 = arith.addf %sub3A_560, %add3A_562 : vector<128x128xf32>
      %mul3A_564 = arith.constant 5.000000e-01 : f32
      %mul3A_565 = vector.broadcast %mul3A_564 : f32 to vector<128x128xf32>
      %mul3A_566 = arith.mulf %mul3A_565, %add3A_563 : vector<128x128xf32>
      %gt3A_567 = arith.cmpf ogt, %mul3A_556, %mul3A_566 : vector<128x128xf32>
      %convert_element_type3A_568 = arith.extui %gt3A_567 : vector<128x128xi1> to vector<128x128xi32>
      %convert_element_type3A_569 = arith.sitofp %convert_element_type3A_568 : vector<128x128xi32> to vector<128x128xf32>
      %mul3A_570 = vector.broadcast %dot_general3A_84 : vector<128x1xf32> to vector<128x128xf32>
      %mul3A_571 = arith.mulf %convert_element_type3A_569, %mul3A_570 : vector<128x128xf32>
      %reduce_max3A_572 = arith.constant dense<0xFF800000> : vector<128xf32>
      %reduce_max3A_573 = vector.multi_reduction <maximumf>, %mul3A_571, %reduce_max3A_572 [0] : vector<128x128xf32> to vector<128xf32>
      %broadcast_in_dim3A_574 = vector.shape_cast %reduce_max3A_573 : vector<128xf32> to vector<1x128xf32>
      %slice3A_575 = vector.extract_strided_slice %get3A_131 {offsets = [6, 0], sizes = [1, 128], strides = [1, 1]} : vector<8x128xf32> to vector<1x128xf32>
      %lt3A_576 = arith.constant 5.000000e-01 : f32
      %lt3A_577 = vector.broadcast %lt3A_576 : f32 to vector<1x128xf32>
      %lt3A_578 = arith.cmpf olt, %broadcast_in_dim3A_574, %lt3A_577 : vector<1x128xf32>
      %convert_element_type3A_579 = arith.extui %lt3A_578 : vector<1x128xi1> to vector<1x128xi32>
      %convert_element_type3A_580 = arith.sitofp %convert_element_type3A_579 : vector<1x128xi32> to vector<1x128xf32>
      %mul3A_581 = arith.mulf %slice3A_575, %convert_element_type3A_580 : vector<1x128xf32>
      %gt3A_582 = arith.cmpi sgt, %add3A_522, %arg0 : i32
      %select_n3A_583 = arith.select %gt3A_582, %mul3A_581, %slice3A_575 : vector<1x128xf32>
      %mul3A_584 = arith.constant 8 : i32
      %mul3A_585 = arith.muli %while3A_114, %mul3A_584 : i32
      %add3A_586 = arith.constant 7 : i32
      %add3A_587 = arith.addi %mul3A_585, %add3A_586 : i32
      %slice3A_588 = vector.extract_strided_slice %get3A_119 {offsets = [7, 0], sizes = [1, 128], strides = [1, 1]} : vector<8x128xf32> to vector<1x128xf32>
      %slice3A_589 = vector.extract_strided_slice %get3A_122 {offsets = [7, 0], sizes = [1, 128], strides = [1, 1]} : vector<8x128xf32> to vector<1x128xf32>
      %slice3A_590 = vector.extract_strided_slice %get3A_125 {offsets = [7, 0], sizes = [1, 128], strides = [1, 1]} : vector<8x128xf32> to vector<1x128xf32>
      %slice3A_591 = vector.extract_strided_slice %get3A_128 {offsets = [7, 0], sizes = [1, 128], strides = [1, 1]} : vector<8x128xf32> to vector<1x128xf32>
      %add3A_592 = arith.constant 1.000000e+00 : f32
      %add3A_593 = vector.broadcast %add3A_592 : f32 to vector<1x128xf32>
      %add3A_594 = arith.addf %slice3A_590, %add3A_593 : vector<1x128xf32>
      %add3A_595 = arith.constant 1.000000e+00 : f32
      %add3A_596 = vector.broadcast %add3A_595 : f32 to vector<1x128xf32>
      %add3A_597 = arith.addf %slice3A_591, %add3A_596 : vector<1x128xf32>
      %sub3A_598 = arith.subf %add3A_594, %slice3A_588 : vector<1x128xf32>
      %sub3A_599 = arith.subf %add3A_597, %slice3A_589 : vector<1x128xf32>
      %mul3A_600 = arith.mulf %sub3A_598, %sub3A_599 : vector<1x128xf32>
      %min3A_601 = vector.broadcast %add3A_11 : vector<128x1xf32> to vector<128x128xf32>
      %min3A_602 = vector.broadcast %add3A_594 : vector<1x128xf32> to vector<128x128xf32>
      %min3A_603 = arith.minimumf %min3A_601, %min3A_602 : vector<128x128xf32>
      %max3A_604 = vector.broadcast %get3A_3 : vector<128x1xf32> to vector<128x128xf32>
      %max3A_605 = vector.broadcast %slice3A_588 : vector<1x128xf32> to vector<128x128xf32>
      %max3A_606 = arith.maximumf %max3A_604, %max3A_605 : vector<128x128xf32>
      %sub3A_607 = arith.subf %min3A_603, %max3A_606 : vector<128x128xf32>
      %min3A_608 = vector.broadcast %add3A_17 : vector<128x1xf32> to vector<128x128xf32>
      %min3A_609 = vector.broadcast %add3A_597 : vector<1x128xf32> to vector<128x128xf32>
      %min3A_610 = arith.minimumf %min3A_608, %min3A_609 : vector<128x128xf32>
      %max3A_611 = vector.broadcast %get3A_6 : vector<128x1xf32> to vector<128x128xf32>
      %max3A_612 = vector.broadcast %slice3A_589 : vector<1x128xf32> to vector<128x128xf32>
      %max3A_613 = arith.maximumf %max3A_611, %max3A_612 : vector<128x128xf32>
      %sub3A_614 = arith.subf %min3A_610, %max3A_613 : vector<128x128xf32>
      %max3A_615 = arith.constant 0.000000e+00 : f32
      %max3A_616 = vector.broadcast %max3A_615 : f32 to vector<128x128xf32>
      %max3A_617 = arith.maximumf %sub3A_607, %max3A_616 : vector<128x128xf32>
      %max3A_618 = arith.constant 0.000000e+00 : f32
      %max3A_619 = vector.broadcast %max3A_618 : f32 to vector<128x128xf32>
      %max3A_620 = arith.maximumf %sub3A_614, %max3A_619 : vector<128x128xf32>
      %mul3A_621 = arith.mulf %max3A_617, %max3A_620 : vector<128x128xf32>
      %add3A_622 = vector.broadcast %mul3A : vector<128x1xf32> to vector<128x128xf32>
      %add3A_623 = vector.broadcast %mul3A_600 : vector<1x128xf32> to vector<128x128xf32>
      %add3A_624 = arith.addf %add3A_622, %add3A_623 : vector<128x128xf32>
      %sub3A_625 = arith.subf %add3A_624, %mul3A_621 : vector<128x128xf32>
      %add3A_626 = arith.constant 9.99999997E-7 : f32
      %add3A_627 = vector.broadcast %add3A_626 : f32 to vector<128x128xf32>
      %add3A_628 = arith.addf %sub3A_625, %add3A_627 : vector<128x128xf32>
      %mul3A_629 = arith.constant 5.000000e-01 : f32
      %mul3A_630 = vector.broadcast %mul3A_629 : f32 to vector<128x128xf32>
      %mul3A_631 = arith.mulf %mul3A_630, %add3A_628 : vector<128x128xf32>
      %gt3A_632 = arith.cmpf ogt, %mul3A_621, %mul3A_631 : vector<128x128xf32>
      %convert_element_type3A_633 = arith.extui %gt3A_632 : vector<128x128xi1> to vector<128x128xi32>
      %convert_element_type3A_634 = arith.sitofp %convert_element_type3A_633 : vector<128x128xi32> to vector<128x128xf32>
      %mul3A_635 = vector.broadcast %dot_general3A_84 : vector<128x1xf32> to vector<128x128xf32>
      %mul3A_636 = arith.mulf %convert_element_type3A_634, %mul3A_635 : vector<128x128xf32>
      %reduce_max3A_637 = arith.constant dense<0xFF800000> : vector<128xf32>
      %reduce_max3A_638 = vector.multi_reduction <maximumf>, %mul3A_636, %reduce_max3A_637 [0] : vector<128x128xf32> to vector<128xf32>
      %broadcast_in_dim3A_639 = vector.shape_cast %reduce_max3A_638 : vector<128xf32> to vector<1x128xf32>
      %slice3A_640 = vector.extract_strided_slice %get3A_131 {offsets = [7, 0], sizes = [1, 128], strides = [1, 1]} : vector<8x128xf32> to vector<1x128xf32>
      %lt3A_641 = arith.constant 5.000000e-01 : f32
      %lt3A_642 = vector.broadcast %lt3A_641 : f32 to vector<1x128xf32>
      %lt3A_643 = arith.cmpf olt, %broadcast_in_dim3A_639, %lt3A_642 : vector<1x128xf32>
      %convert_element_type3A_644 = arith.extui %lt3A_643 : vector<1x128xi1> to vector<1x128xi32>
      %convert_element_type3A_645 = arith.sitofp %convert_element_type3A_644 : vector<1x128xi32> to vector<1x128xf32>
      %mul3A_646 = arith.mulf %slice3A_640, %convert_element_type3A_645 : vector<1x128xf32>
      %gt3A_647 = arith.cmpi sgt, %add3A_587, %arg0 : i32
      %select_n3A_648 = arith.select %gt3A_647, %mul3A_646, %slice3A_640 : vector<1x128xf32>
      %concatenate3A = tpu.concatenate %select_n3A_193, %select_n3A_258, %select_n3A_323, %select_n3A_388, %select_n3A_453, %select_n3A_518, %select_n3A_583, %select_n3A_648 in 0 : vector<1x128xf32>, vector<1x128xf32>, vector<1x128xf32>, vector<1x128xf32>, vector<1x128xf32>, vector<1x128xf32>, vector<1x128xf32>, vector<1x128xf32> -> vector<8x128xf32>
      %swap3A_649 = arith.index_cast %multiple_of3A : i32 to index
      %swap3A_650 = arith.constant 0 : index
      %swap3A_651 = vector.load %arg9[%swap3A_649, %swap3A_650] : memref<40x128xf32, #tpu.memory_space<vmem>>, vector<8x128xf32>
      tpu.vector_store %arg9[%swap3A_649, %swap3A_650], %concatenate3A {strides = array<i32>} : memref<40x128xf32, #tpu.memory_space<vmem>>, vector<8x128xf32>,
    }
    return
  }
  func.func @transform_0(%arg0: i32) -> (i32, i32) {
    %c0_i32 = arith.constant 0 : i32
    %c0_i32_0 = arith.constant 0 : i32
    %c0_i32_1 = arith.constant 0 : i32
    return %c0_i32, %c0_i32_0 : i32, i32
  }
  func.func @transform_1(%arg0: i32) -> (i32, i32) {
    %c0_i32 = arith.constant 0 : i32
    %c0_i32_0 = arith.constant 0 : i32
    %c0_i32_1 = arith.constant 0 : i32
    return %c0_i32, %c0_i32_0 : i32, i32
  }
  func.func @transform_2(%arg0: i32) -> (i32, i32) {
    %c0_i32 = arith.constant 0 : i32
    %c0_i32_0 = arith.constant 0 : i32
    %c0_i32_1 = arith.constant 0 : i32
    return %c0_i32, %c0_i32_0 : i32, i32
  }
  func.func @transform_3(%arg0: i32) -> (i32, i32) {
    %c0_i32 = arith.constant 0 : i32
    %c0_i32_0 = arith.constant 0 : i32
    %c0_i32_1 = arith.constant 0 : i32
    return %c0_i32, %c0_i32_0 : i32, i32
  }
  func.func @transform_4(%arg0: i32) -> (i32, i32) {
    %c0_i32 = arith.constant 0 : i32
    %c0_i32_0 = arith.constant 0 : i32
    return %arg0, %c0_i32 : i32, i32
  }
  func.func @transform_5(%arg0: i32) -> (i32, i32) {
    %c0_i32 = arith.constant 0 : i32
    %c0_i32_0 = arith.constant 0 : i32
    return %arg0, %c0_i32 : i32, i32
  }
  func.func @transform_6(%arg0: i32) -> (i32, i32) {
    %c0_i32 = arith.constant 0 : i32
    %c0_i32_0 = arith.constant 0 : i32
    return %arg0, %c0_i32 : i32, i32
  }
  func.func @transform_7(%arg0: i32) -> (i32, i32) {
    %c0_i32 = arith.constant 0 : i32
    %c0_i32_0 = arith.constant 0 : i32
    return %arg0, %c0_i32 : i32, i32
  }
  func.func @transform_8(%arg0: i32) -> (i32, i32) {
    %c0_i32 = arith.constant 0 : i32
    %c0_i32_0 = arith.constant 0 : i32
    %c0_i32_1 = arith.constant 0 : i32
    return %c0_i32, %c0_i32_0 : i32, i32
  }
}

</mosaic_0001>

<sc_bundles>
// kernel: kernel.6.cloned.1.call-start
scs
__scs_entry_jumppad:
0x0: {  	(pc) =	sbr.rel $0x88, $3  }
0x1: {  	(tag) =	ssettag $0x0;
	lr =	simm.s32 $0x1  }
0x2: {  	[smem:$0x3F9F] =	sst lr;
	_ =	strace $0xD0000000  }
0x3: {  	_ = 	snop  }
0x4: {  	_ = 	snop  }
0x5: {  	_ = 	snop  }
0x6: {  	_ = 	snop  }
0x7: {  	_ = 	snop  }
__scs_overlays_trampoline_lowered:
0x8: {  	[smem:$0x3FAE] =	sst s0  }
0x9: {  	[smem:$0x3FAF] =	sst s1  }
0xa: {  	[smem:$0x3FB0] =	sst s2  }
0xb: {  	[smem:$0x3FB1] =	sst s3  }
0xc: {  	[smem:$0x3FB2] =	sst s4  }
0xd: {  	[smem:$0x3FB3] =	sst s5  }
0xe: {  	[smem:$0x3FB4] =	sst s6  }
0xf: {  	[smem:$0x3FB5] =	sst s7  }
0x10: {  	[smem:$0x3FB6] =	sst s8  }
0x11: {  	[smem:$0x3FB7] =	sst s9;
	s0 =	simm.s32 @!p0 $0x0  }
0x12: {  	s1 =	sld [smem:$0x3F9D];
	s0 =	simm.s32 @p0 $0x1  }
0x13: {  	[smem:$0x3FB8] =	sst s0;
	s0 =	simm.s32 @!p1 $0x0  }
0x14: {  	s2 =	sld [smem:$0x3F9C];
	s0 =	simm.s32 @p1 $0x1  }
0x15: {  	[smem:$0x3FB9] =	sst s0;
	s0 =	simm.s32 @!p2 $0x0  }
0x16: {  	s3 =	sld [smem:$0x3FDB];
	s0 =	simm.s32 @p2 $0x1  }
0x17: {  	s4 =	simm.s32 $0x1BF5;
	[smem:$0x3FBB] =	sst s0  }
0x18: {  	s0 =	sld [smem:$0x3F9E];
	_ =	swait.ge [sflag:s4], $0x0  }
0x19: {  	s7 =	sld [smem:$0x3F9F]  }
0x1a: {  	s8 =	sadd.s32 $0xFFFFE003, lr  }
0x1b: {  	s9 =	sadd.s32 $0xFFFFFEF7, lr;
	s5 =	simm.s32 $0xFFFFFFFF;
	p2 =	slt.u32 s8, $0xFFFFF086  }
0x1c: {  	p1 =	slt.u32 s9, $0xF7A;
	s5 =	simm.s32 @!p2 $0x0  }
0x1d: {  	s5 =	simm.s32 @p1 $0x1;
	p0 =	seq.s32 s7, s2  }
0x1e: {  	s7 =	smul.u32 @!p0 $0xF7A, s2;
	p2 =	seq.s32 @!p0 s5, $0x0  }
0x1f: {  	s9 =	smul.u32 $0xF7A, s1;
	s8 =	simm.s32 @!p0 $0x1BF5;
	p2 =	por !p2, p0  }
0x20: {  	[sflag:s8] =	ssyncset.s32 @!p0 $0xFFFFF086;
	s6 =	sadd.s32 @!p0 s3, s7;
	s7 =	simm.s32 @!p0 $0x108  }
0x21: {  	s3 =	sadd.s32 s3, s9;
	s6 =	sadd.s32 @!p0 $0x88, s6;
	s7 =	simm.s32 @p2 $0x1082  }
0x22: {  	[simem:s7], [sflag:s8] =	dma.local @!p0 [hbm:s6], $0xF7A  }
0x23: {  	s9 =	sor.u32 $0xD0000000, s2;
	s6 =	simm.s32 $0x108;
	_ =	swait.ge @!p0 [sflag:s8], $0x0  }
0x24: {  	s3 =	sadd.s32 $0x88, s3;
	s6 =	simm.s32 @!p1 $0x1082;
	[sflag:s4] =	ssyncset.s32 $0xFFFFF086  }
0x25: {  	[simem:s6], [sflag:s4] =	dma.local [hbm:s3], $0xF7A  }
0x26: {  	[smem:$0x3F9F] =	sst s1;
	(tag) =	ssettag s2;
	_ =	strace s9  }
0x27: {  	s1 =	sld [smem:$0x3FAF]  }
0x28: {  	s2 =	sld [smem:$0x3FB0]  }
0x29: {  	s4 =	sld [smem:$0x3FB2]  }
0x2a: {  	p0 =	seq.s32 s5, $0x0;
	s5 =	sld [smem:$0x3FB3]  }
0x2b: {  	s6 =	sld [smem:$0x3FB4]  }
0x2c: {  	s7 =	sld [smem:$0x3FB5]  }
0x2d: {  	s3 =	simm.s32 $0x108;
	s8 =	sld [smem:$0x3FB6]  }
0x2e: {  	s3 =	simm.s32 @!p0 $0x1082;
	s9 =	sld [smem:$0x3FB7]  }
0x2f: {  	lr =	sadd.s32 s0, s3;
	s0 =	sld [smem:$0x3FAE]  }
0x30: {  	s3 =	sld [smem:$0x3FB1]  }
0x31: {  	[smem:$0x3FBA] =	sst s10  }
0x32: {  	s10 =	sld [smem:$0x3FB8];
	_ =	sdelay $0x3  }
0x33: {  	p0 =	seq.s32 s10, $0x1;
	s10 =	sld [smem:$0x3FBA];
	_ =	sdelay $0x3  }
0x34: {  	[smem:$0x3FBA] =	sst s10  }
0x35: {  	s10 =	sld [smem:$0x3FB9];
	_ =	sdelay $0x3  }
0x36: {  	p1 =	seq.s32 s10, $0x1;
	s10 =	sld [smem:$0x3FBA];
	_ =	sdelay $0x3  }
0x37: {  	[smem:$0x3FBA] =	sst s10  }
0x38: {  	s10 =	sld [smem:$0x3FBB]  }
0x39: {  	_ = 	snop;
	(pc) =	sbr.ind lr, $3  }
0x3a: {  	_ = 	snop  }
0x3b: {  	_ = 	snop  }
0x3c: {  	p2 =	seq.s32 s10, $0x1;
	s10 =	sld [smem:$0x3FBA]  }
0x3d: {  	_ =	shalt  }
0x3e: {  	_ =	shalt  }
0x3f: {  	_ =	shalt  }
0x40: {  	_ =	shalt  }
0x41: {  	_ =	shalt  }
0x42: {  	_ =	shalt  }
0x43: {  	_ =	shalt  }
0x44: {  	_ =	shalt  }
0x45: {  	_ =	shalt  }
0x46: {  	_ =	shalt  }
0x47: {  	_ =	shalt  }
0x48: {  	_ =	shalt  }
0x49: {  	_ =	shalt  }
0x4a: {  	_ =	shalt  }
0x4b: {  	_ =	shalt  }
0x4c: {  	_ =	shalt  }
0x4d: {  	_ =	shalt  }
0x4e: {  	_ =	shalt  }
0x4f: {  	_ =	shalt  }
0x50: {  	_ =	shalt  }
0x51: {  	_ =	shalt  }
0x52: {  	_ =	shalt  }
0x53: {  	_ =	shalt  }
0x54: {  	_ =	shalt  }
0x55: {  	_ =	shalt  }
0x56: {  	_ =	shalt  }
0x57: {  	_ =	shalt  }
0x58: {  	_ =	shalt  }
0x59: {  	_ =	shalt  }
0x5a: {  	_ =	shalt  }
0x5b: {  	_ =	shalt  }
0x5c: {  	_ =	shalt  }
0x5d: {  	_ =	shalt  }
0x5e: {  	_ =	shalt  }
0x5f: {  	_ =	shalt  }
0x60: {  	_ =	shalt  }
0x61: {  	_ =	shalt  }
0x62: {  	_ =	shalt  }
0x63: {  	_ =	shalt  }
0x64: {  	_ =	shalt  }
0x65: {  	_ =	shalt  }
0x66: {  	_ =	shalt  }
0x67: {  	_ =	shalt  }
0x68: {  	_ =	shalt  }
0x69: {  	_ =	shalt  }
0x6a: {  	_ =	shalt  }
0x6b: {  	_ =	shalt  }
0x6c: {  	_ =	shalt  }
0x6d: {  	_ =	shalt  }
0x6e: {  	_ =	shalt  }
0x6f: {  	_ =	shalt  }
0x70: {  	_ =	shalt  }
0x71: {  	_ =	shalt  }
0x72: {  	_ =	shalt  }
0x73: {  	_ =	shalt  }
0x74: {  	_ =	shalt  }
0x75: {  	_ =	shalt  }
0x76: {  	_ =	shalt  }
0x77: {  	_ =	shalt  }
0x78: {  	_ =	shalt  }
0x79: {  	_ =	shalt  }
0x7a: {  	_ =	shalt  }
0x7b: {  	_ =	shalt  }
0x7c: {  	_ =	shalt  }
0x7d: {  	_ =	shalt  }
0x7e: {  	_ =	shalt  }
0x7f: {  	_ =	shalt  }
0x80: {  	_ =	shalt  }
0x81: {  	_ =	shalt  }
0x82: {  	_ =	shalt  }
0x83: {  	_ =	shalt  }
0x84: {  	_ =	shalt  }
0x85: {  	_ =	shalt  }
0x86: {  	_ =	shalt  }
0x87: {  	_ =	shalt  }
.Lfunc_end0:
.L_simem_size_0:
called_computation_lowered:
.L_overlay_start_0:
0x88: {  	s2 =	sld [smem:$0x3FD9]  }
0x89: {  	s3 =	sld [smem:$0x3FFE];
	_ =	sdelay $0x1  }
0x8a: {  	s1 =	srdreg.scid  }
0x8b: {  	s0 =	sand.u32 $0x1, s1  }
0x8c: {  	s17 =	sshll.u32 s0, $0xA;
	s2 =	sadd.s32 s3, s2  }
0x8d: {  	s2 =	sadd.s32 s2, s17  }
0x8e: {  	[smem:$0x3FC6] =	sst s2  }
0x8f: {  	_ = 	snop  }
0x90: {  	s2 =	sld [smem:$0x3FD0];
	(tm) =	ssettm $0x1  }
0x91: {  	s18 =	sld [smem:$0x3FFB];
	_ =	sdelay $0x3  }
0x92: {  	_ =	strace s18  }
0x93: {  	s3 =	sld [smem:$0x3FFC];
	_ =	sdelay $0x3  }
0x94: {  	_ =	strace s3  }
0x95: {  	s3 =	sld [smem:$0x3FFD];
	_ =	sdelay $0x3  }
0x96: {  	_ =	strace s3  }
0x97: {  	_ =	strace $0x8FFFFFFF  }
0x98: {  	s19 =	sld [smem:$0x3FDB];
	_ =	sdelay $0x1  }
0x99: {  	s4 =	simm.s32 $_scs_section_size  }
0x9a: {  	s5 =	simm.s32 $_size__tile_overlayer_lowered;
	s6 =	simm.s32 $_tile_overlayer_lowered  }
0x9b: {  	s22 =	simm.s32 $0x1BFF;
	s21 =	sshll.u32 s6, $0x1;
	s3 =	sadd.s32 s4, s19  }
0x9c: {  	s7 =	simm.s32 $0x0;
	s20 =	sshll.u32 s5, $0x1;
	s5 =	sadd.s32 s21, s3  }
0x9d: {  	[timem:s7], [sflag:s22] =	dma.local [hbm:s5], s20  }
0x9e: {  	_ =	swait.ge [sflag:s22], s20  }
0x9f: {  	s4 =	ssub.s32 $0x0, s20;
	[sflag:s22] =	ssyncset.done $0x0  }
0xa0: {  	[sflag:s22] =	ssyncadd.s32 s4;
	_ =	sdelay $0x1  }
0xa1: {  	s23 =	simm.s32 $0x1B8B  }
0xa2: {  	_ =	swait.ge [sflag:s23], $0x1  }
0xa3: {  	[sflag:s23] =	ssyncset.done $0x0  }
0xa4: {  	s25 =	simm.s32 $0x1B8E;
	s24 =	sld [smem:$0x3FFE];
	[sflag:s23] =	ssyncadd.s32 $0xFFFFFFFF  }
0xa5: {  	s26 =	simm.s32 $execute0_lowered;
	[smem:$0x3FD2] =	sst s25  }
0xa6: {  	s5 =	sshll.u32 s26, $0x1;
	_ =	strace $0x80000046;
	[dreg:$0x1] =	wrdreg $0xFFFFFFFF  }
0xa7: {  	s28 =	simm.s32 $_size_execute0_lowered;
	s3 =	sadd.s32 s3, s5;
	[dreg:$0x0] =	wrdreg $0x0  }
0xa8: {  	s5 =	sshll.u32 s28, $0x1;
	[dreg:$0x2] =	wrdreg s3  }
0xa9: {  	[dreg:$0x3] =	wrdreg s5  }
0xaa: {  	[dreg:$0x4] =	wrdreg $0xC0  }
0xab: {  	_ =	task [dreg:s7], $0x5FFFF  }
0xac: {  	[dreg:$0x1] =	wrdreg $0xFFFFFFFF  }
0xad: {  	[dreg:$0x0] =	wrdreg $0x60  }
0xae: {  	[dreg:$0x2] =	wrdreg s24  }
0xaf: {  	[dreg:$0x3] =	wrdreg s2  }
0xb0: {  	[dreg:$0x4] =	wrdreg $0x9  }
0xb1: {  	_ =	task.clear_ibuf [dreg:s7], $0x5FFFF;
	_ =	strace $0x90000046  }
0xb2: {  	s29 =	simm.s32 $0x9;
	_ =	strace $0x80000048  }
0xb3: {  	_ =	swait.ge [sflag:s29], $0x1  }
0xb4: {  	[sflag:s29] =	ssyncadd.s32 $0xFFFFFFFF  }
0xb5: {  	_ =	strace $0x90000048  }
0xb6: {  	_ =	sfence  }
0xb7: {  	s30 =	sld [smem:$0x0];
	_ =	sdelay $0x2  }
0xb8: {  	s31 =	sshll.u32 s1, $0xD;
	s1 =	sshrl.u32 s1, $0x2  }
0xb9: {  	s3 =	sand.u32 $0x4000, s31;
	s1 =	sadd.s32 s1, s30  }
0xba: {  	s0 =	sor.u32 s3, s0;
	s1 =	sshll.u32 s1, $0x11  }
0xbb: {  	s0 =	sor.u32 s1, s0  }
0xbc: {  	s0 =	sadd.s32 $0x8F2B, s0  }
0xbd: {  	[sflag:s0] =	ssyncadd.remote.s32 $0x1  }
0xbe: {  	_ =	sfence.sel $0xFFFF  }
0xbf: {  	[dreg:$0x0] =	wrdreg $0xFFFFFFFF;
	(pc) =	sbr.abs _section_cstart, $3  }
0xc0: {  	[dreg:$0x1] =	wrdreg $0xFFFFFFFF  }
0xc1: {  	_ =	task.clear_ibuf [dreg:s7], $0x2FFFF;
	_ =	strace $0x9FFFFFFF  }
0xc2: {  	(tm) =	ssettm $0x7FFFFFFF  }
0xc3: {  	_ =	shalt  }
tec
execute0_lowered:
.L_overlay_start_1:
0x0: {  	(tag) =	ssettag $0x1  }
0x1: {  	s5 =	rddreg [dreg:$0x0]  }
0x2: {  	s1 =	srdreg.scid;
	s0 =	stileid.u32  }
0x3: {  	s6 =	rddreg [dreg:$0x1];
	s2 =	simm.s32 $0x0;
	s11 =	simm.s32 $0x1400  }
0x4: {  	s12 =	simm.s32 $0x6280;
	s13 =	simm.s32 $0x6380;
	s14 =	simm.s32 $0x6480  }
0x5: {  	s4 =	sand.u32 $0x1, s1;
	s3 =	sshll.u32 s0, $0x1;
	s1 =	rddreg [dreg:$0x2]  }
0x6: {  	s17 =	simm.s32 $0x0;
	[smem:$0x7FF] =	sst s2;
	s3 =	sor.u32 s4, s3  }
0x7: {  	_ =	strace $0x80000047;
	s8 =	ssub.s32 $0x2, s4;
	s15 =	smul.u32 $0xA0, s3  }
0x8: {  	s4 =	sadd.s32 $0x1A00, s5;
	s3 =	sadd.s32 $0x2400, s5;
	s31 =	sshrl.u32 s8, $0x1  }
0x9: {  	s10 =	ssub.s32 s8, s31;
	s7 =	sshrl.u32 s15, $0x3;
	s16 =	sadd.s32 $0xA0, s15  }
0xa: {  	v0 =	vmov s15;
	s15 =	simm.s32 $0x6580;
	s9 =	sadd.s32 s7, s5;
	s5 =	sadd.s32 s6, s7  }
0xb: {  	v1 =	vmov s16;
	s16 =	simm.s32 $0x6680;
	s6 =	sadd.s32 $0x2C00, s9;
	s7 =	sadd.s32 $0x2800, s9  }
0xc: {  	v2 =	vlaneseq.u32;
	s8 =	sadd.s32 $0x3000, s9;
	s9 =	smax.u32 s10, $0x1;
	s10 =	simm.s32 $0x1  }
.LBB2_1:
0xd: {  	[tilespmem:s2], [sflag:$0x1] =	stream.linear.gather [hbm4b:s3+s2], $0x1400, $0x38;
	[tilespmem:$0x6780] =	vst v63  }
0xe: {  	_ =	swait.ge [sflag:s10], $0x1400  }
0xf: {  	[sflag:s10] =	ssyncset.done $0x0  }
0x10: {  	[sflag:s10] =	ssyncadd.s32 $0xFFFFEC00  }
0x11: {  	[tilespmem:s11], [sflag:$0x1] =	stream.linear.gather [hbm4b:s4+s2], $0x4E80, $0x38;
	[tilespmem:$0x6780] =	vst v63  }
0x12: {  	_ =	swait.ge [sflag:s10], $0x4E80  }
0x13: {  	[sflag:s10] =	ssyncset.done $0x0  }
0x14: {  	[sflag:s10] =	ssyncadd.s32 $0xFFFFB180  }
0x15: {  	s19 =	simm.s32 $0x10;
	s18 =	simm.s32 $0x0;
	s20 =	simm.s32 $0x0;
	v3 =	vld [tilespmem:s2+$0x0]  }
.LBB2_2:
0x16: {  	p0 =	sne.s32 s19, $0x13F0;
	_ =	sdelay $0x3  }
0x17: {  	vm0 =	vge.s32 v3, v0;
	vm1 =	vlt.s32 v3, v1  }
0x18: {  	vm0 =	vmand vm0, vm1  }
0x19: {  	v3 =	vsub.s32 v3, v0;
	_ =	sdelay $0x1  }
.Ltmp0:
0x1a: {  	(pc) =	sbr.rel @p0 .LBB2_2-.Ltmp0, $4  }
0x1b: {  	_ = 	snop  }
0x1c: {  	v4 =	vor.u32 s18, v2;
	s18 =	smov.u32 s19  }
0x1d: {  	s20 =	sadd.s32 $0x10, s20;
	[tilespmem:v3+s12+$0x0] =	vst.idx.msk vm0, v4  }
0x1e: {  	s19 =	sadd.s32 $0x10, s19;
	v3 =	vld [tilespmem:s20+$0x0]  }
0x1f: {  	_ =	sdelay $0x3  }
0x20: {  	vm0 =	vge.s32 v3, v0;
	vm1 =	vlt.s32 v3, v1  }
0x21: {  	vm0 =	vmand vm0, vm1  }
0x22: {  	v3 =	vsub.s32 v3, v0;
	_ =	sdelay $0x3  }
0x23: {  	v4 =	vor.u32 s18, v2  }
0x24: {  	[tilespmem:v3+s12+$0x0] =	vst.idx.msk vm0, v4  }
0x25: {  	v3 =	vld [tilespmem:$0x6280];
	_ =	sdelay $0x4  }
0x26: {  	vm6 =	vlt.s32 v3, $0x1388  }
0x27: {  	v3 =	vshll.u32 v3, $0x2;
	_ =	sdelay $0x4  }
0x28: {  	v4 =	vld.idx.msk [tilespmem:v3+s11+$0x0], vm6;
	_ =	sdelay $0x1  }
0x29: {  	v5 =	vor.u32 $0x1, v3;
	_ =	sdelay $0x2  }
0x2a: {  	v4 =	vnsel vm6, $0x4B189680, v4  }
0x2b: {  	[tilespmem:$0x6380] =	vst v4  }
0x2c: {  	v4 =	vld.idx.msk [tilespmem:v5+s11+$0x0], vm6;
	_ =	sdelay $0x1  }
0x2d: {  	v36 =	vor.u32 $0x2, v3;
	_ =	sdelay $0x2  }
0x2e: {  	v4 =	vnsel vm6, $0x4B189680, v4  }
0x2f: {  	[tilespmem:$0x6480] =	vst v4  }
0x30: {  	v4 =	vld.idx.msk [tilespmem:v36+s11+$0x0], vm6;
	_ =	sdelay $0x1  }
0x31: {  	v3 =	vor.u32 $0x3, v3  }
0x32: {  	v37 =	vld [tilespmem:$0x6290];
	_ =	sdelay $0x1  }
0x33: {  	v4 =	vnsel vm6, $0x4B189681, v4  }
0x34: {  	[tilespmem:$0x6580] =	vst v4  }
0x35: {  	v3 =	vld.idx.msk [tilespmem:v3+s11+$0x0], vm6  }
0x36: {  	vm7 =	vlt.s32 v37, $0x1388  }
0x37: {  	v38 =	vshll.u32 v37, $0x2;
	_ =	sdelay $0x2  }
0x38: {  	v3 =	vnsel vm6, $0x4B189681, v3  }
0x39: {  	[tilespmem:$0x6680] =	vst v3  }
0x3a: {  	v3 =	vld.idx.msk [tilespmem:v38+s11+$0x0], vm7;
	_ =	sdelay $0x1  }
0x3b: {  	v5 =	vor.u32 $0x1, v38;
	_ =	sdelay $0x2  }
0x3c: {  	v3 =	vnsel vm7, $0x4B189680, v3  }
0x3d: {  	[tilespmem:$0x6390] =	vst v3  }
0x3e: {  	v3 =	vld.idx.msk [tilespmem:v5+s11+$0x0], vm7;
	_ =	sdelay $0x1  }
0x3f: {  	v39 =	vor.u32 $0x2, v38;
	_ =	sdelay $0x2  }
0x40: {  	v3 =	vnsel vm7, $0x4B189680, v3  }
0x41: {  	[tilespmem:$0x6490] =	vst v3  }
0x42: {  	v3 =	vld.idx.msk [tilespmem:v39+s11+$0x0], vm7;
	_ =	sdelay $0x1  }
0x43: {  	v4 =	vor.u32 $0x3, v38  }
0x44: {  	v40 =	vld [tilespmem:$0x62A0];
	_ =	sdelay $0x1  }
0x45: {  	v3 =	vnsel vm7, $0x4B189681, v3  }
0x46: {  	[tilespmem:$0x6590] =	vst v3  }
0x47: {  	v3 =	vld.idx.msk [tilespmem:v4+s11+$0x0], vm7  }
0x48: {  	vm8 =	vlt.s32 v40, $0x1388  }
0x49: {  	v41 =	vshll.u32 v40, $0x2;
	_ =	sdelay $0x2  }
0x4a: {  	v3 =	vnsel vm7, $0x4B189681, v3  }
0x4b: {  	[tilespmem:$0x6690] =	vst v3  }
0x4c: {  	v3 =	vld.idx.msk [tilespmem:v41+s11+$0x0], vm8;
	_ =	sdelay $0x1  }
0x4d: {  	v5 =	vor.u32 $0x1, v41;
	_ =	sdelay $0x2  }
0x4e: {  	v3 =	vnsel vm8, $0x4B189680, v3  }
0x4f: {  	[tilespmem:$0x63A0] =	vst v3  }
0x50: {  	v3 =	vld.idx.msk [tilespmem:v5+s11+$0x0], vm8;
	_ =	sdelay $0x1  }
0x51: {  	v42 =	vor.u32 $0x2, v41;
	_ =	sdelay $0x2  }
0x52: {  	v3 =	vnsel vm8, $0x4B189680, v3  }
0x53: {  	[tilespmem:$0x64A0] =	vst v3  }
0x54: {  	v3 =	vld.idx.msk [tilespmem:v42+s11+$0x0], vm8;
	_ =	sdelay $0x1  }
0x55: {  	v4 =	vor.u32 $0x3, v41  }
0x56: {  	v43 =	vld [tilespmem:$0x62B0];
	_ =	sdelay $0x1  }
0x57: {  	v3 =	vnsel vm8, $0x4B189681, v3  }
0x58: {  	[tilespmem:$0x65A0] =	vst v3  }
0x59: {  	v3 =	vld.idx.msk [tilespmem:v4+s11+$0x0], vm8  }
0x5a: {  	vm9 =	vlt.s32 v43, $0x1388  }
0x5b: {  	v44 =	vshll.u32 v43, $0x2;
	_ =	sdelay $0x2  }
0x5c: {  	v3 =	vnsel vm8, $0x4B189681, v3  }
0x5d: {  	[tilespmem:$0x66A0] =	vst v3  }
0x5e: {  	v3 =	vld.idx.msk [tilespmem:v44+s11+$0x0], vm9;
	_ =	sdelay $0x1  }
0x5f: {  	v5 =	vor.u32 $0x1, v44;
	_ =	sdelay $0x2  }
0x60: {  	v3 =	vnsel vm9, $0x4B189680, v3  }
0x61: {  	[tilespmem:$0x63B0] =	vst v3  }
0x62: {  	v3 =	vld.idx.msk [tilespmem:v5+s11+$0x0], vm9;
	_ =	sdelay $0x1  }
0x63: {  	v45 =	vor.u32 $0x2, v44;
	_ =	sdelay $0x2  }
0x64: {  	v3 =	vnsel vm9, $0x4B189680, v3  }
0x65: {  	[tilespmem:$0x64B0] =	vst v3  }
0x66: {  	v3 =	vld.idx.msk [tilespmem:v45+s11+$0x0], vm9;
	_ =	sdelay $0x1  }
0x67: {  	v4 =	vor.u32 $0x3, v44  }
0x68: {  	v46 =	vld [tilespmem:$0x62C0];
	_ =	sdelay $0x1  }
0x69: {  	v3 =	vnsel vm9, $0x4B189681, v3  }
0x6a: {  	[tilespmem:$0x65B0] =	vst v3  }
0x6b: {  	v3 =	vld.idx.msk [tilespmem:v4+s11+$0x0], vm9  }
0x6c: {  	vm10 =	vlt.s32 v46, $0x1388  }
0x6d: {  	v47 =	vshll.u32 v46, $0x2;
	_ =	sdelay $0x2  }
0x6e: {  	v3 =	vnsel vm9, $0x4B189681, v3  }
0x6f: {  	[tilespmem:$0x66B0] =	vst v3  }
0x70: {  	v3 =	vld.idx.msk [tilespmem:v47+s11+$0x0], vm10;
	_ =	sdelay $0x1  }
0x71: {  	v5 =	vor.u32 $0x1, v47;
	_ =	sdelay $0x2  }
0x72: {  	v3 =	vnsel vm10, $0x4B189680, v3  }
0x73: {  	[tilespmem:$0x63C0] =	vst v3  }
0x74: {  	v3 =	vld.idx.msk [tilespmem:v5+s11+$0x0], vm10;
	_ =	sdelay $0x1  }
0x75: {  	v48 =	vor.u32 $0x2, v47;
	_ =	sdelay $0x2  }
0x76: {  	v3 =	vnsel vm10, $0x4B189680, v3  }
0x77: {  	[tilespmem:$0x64C0] =	vst v3  }
0x78: {  	v3 =	vld.idx.msk [tilespmem:v48+s11+$0x0], vm10;
	_ =	sdelay $0x1  }
0x79: {  	v4 =	vor.u32 $0x3, v47  }
0x7a: {  	v49 =	vld [tilespmem:$0x62D0];
	_ =	sdelay $0x1  }
0x7b: {  	v3 =	vnsel vm10, $0x4B189681, v3  }
0x7c: {  	[tilespmem:$0x65C0] =	vst v3  }
0x7d: {  	v3 =	vld.idx.msk [tilespmem:v4+s11+$0x0], vm10  }
0x7e: {  	vm11 =	vlt.s32 v49, $0x1388  }
0x7f: {  	v50 =	vshll.u32 v49, $0x2;
	_ =	sdelay $0x2  }
0x80: {  	v3 =	vnsel vm10, $0x4B189681, v3  }
0x81: {  	[tilespmem:$0x66C0] =	vst v3  }
0x82: {  	v3 =	vld.idx.msk [tilespmem:v50+s11+$0x0], vm11;
	_ =	sdelay $0x1  }
0x83: {  	v5 =	vor.u32 $0x1, v50;
	_ =	sdelay $0x2  }
0x84: {  	v3 =	vnsel vm11, $0x4B189680, v3  }
0x85: {  	[tilespmem:$0x63D0] =	vst v3  }
0x86: {  	v3 =	vld.idx.msk [tilespmem:v5+s11+$0x0], vm11;
	_ =	sdelay $0x1  }
0x87: {  	v51 =	vor.u32 $0x2, v50;
	_ =	sdelay $0x2  }
0x88: {  	v3 =	vnsel vm11, $0x4B189680, v3  }
0x89: {  	[tilespmem:$0x64D0] =	vst v3  }
0x8a: {  	v3 =	vld.idx.msk [tilespmem:v51+s11+$0x0], vm11;
	_ =	sdelay $0x1  }
0x8b: {  	v4 =	vor.u32 $0x3, v50  }
0x8c: {  	v52 =	vld [tilespmem:$0x62E0];
	_ =	sdelay $0x1  }
0x8d: {  	v3 =	vnsel vm11, $0x4B189681, v3  }
0x8e: {  	[tilespmem:$0x65D0] =	vst v3  }
0x8f: {  	v3 =	vld.idx.msk [tilespmem:v4+s11+$0x0], vm11  }
0x90: {  	vm12 =	vlt.s32 v52, $0x1388  }
0x91: {  	v53 =	vshll.u32 v52, $0x2;
	_ =	sdelay $0x2  }
0x92: {  	v3 =	vnsel vm11, $0x4B189681, v3  }
0x93: {  	[tilespmem:$0x66D0] =	vst v3  }
0x94: {  	v3 =	vld.idx.msk [tilespmem:v53+s11+$0x0], vm12;
	_ =	sdelay $0x1  }
0x95: {  	v5 =	vor.u32 $0x1, v53;
	_ =	sdelay $0x2  }
0x96: {  	v3 =	vnsel vm12, $0x4B189680, v3  }
0x97: {  	[tilespmem:$0x63E0] =	vst v3  }
0x98: {  	v3 =	vld.idx.msk [tilespmem:v5+s11+$0x0], vm12;
	_ =	sdelay $0x1  }
0x99: {  	v54 =	vor.u32 $0x2, v53;
	_ =	sdelay $0x2  }
0x9a: {  	v3 =	vnsel vm12, $0x4B189680, v3  }
0x9b: {  	[tilespmem:$0x64E0] =	vst v3  }
0x9c: {  	v3 =	vld.idx.msk [tilespmem:v54+s11+$0x0], vm12;
	_ =	sdelay $0x1  }
0x9d: {  	v4 =	vor.u32 $0x3, v53  }
0x9e: {  	v55 =	vld [tilespmem:$0x62F0];
	_ =	sdelay $0x1  }
0x9f: {  	v3 =	vnsel vm12, $0x4B189681, v3  }
0xa0: {  	[tilespmem:$0x65E0] =	vst v3  }
0xa1: {  	v3 =	vld.idx.msk [tilespmem:v4+s11+$0x0], vm12  }
0xa2: {  	vm13 =	vlt.s32 v55, $0x1388  }
0xa3: {  	v56 =	vshll.u32 v55, $0x2;
	_ =	sdelay $0x2  }
0xa4: {  	v3 =	vnsel vm12, $0x4B189681, v3  }
0xa5: {  	[tilespmem:$0x66E0] =	vst v3  }
0xa6: {  	v3 =	vld.idx.msk [tilespmem:v56+s11+$0x0], vm13;
	_ =	sdelay $0x1  }
0xa7: {  	v5 =	vor.u32 $0x1, v56;
	_ =	sdelay $0x2  }
0xa8: {  	v3 =	vnsel vm13, $0x4B189680, v3  }
0xa9: {  	[tilespmem:$0x63F0] =	vst v3  }
0xaa: {  	v3 =	vld.idx.msk [tilespmem:v5+s11+$0x0], vm13;
	_ =	sdelay $0x1  }
0xab: {  	v57 =	vor.u32 $0x2, v56;
	_ =	sdelay $0x2  }
0xac: {  	v3 =	vnsel vm13, $0x4B189680, v3  }
0xad: {  	[tilespmem:$0x64F0] =	vst v3  }
0xae: {  	v3 =	vld.idx.msk [tilespmem:v57+s11+$0x0], vm13;
	_ =	sdelay $0x1  }
0xaf: {  	v4 =	vor.u32 $0x3, v56  }
0xb0: {  	v58 =	vld [tilespmem:$0x6300];
	_ =	sdelay $0x1  }
0xb1: {  	v3 =	vnsel vm13, $0x4B189681, v3  }
0xb2: {  	[tilespmem:$0x65F0] =	vst v3  }
0xb3: {  	v3 =	vld.idx.msk [tilespmem:v4+s11+$0x0], vm13  }
0xb4: {  	vm14 =	vlt.s32 v58, $0x1388  }
0xb5: {  	v59 =	vshll.u32 v58, $0x2;
	_ =	sdelay $0x2  }
0xb6: {  	v3 =	vnsel vm13, $0x4B189681, v3  }
0xb7: {  	[tilespmem:$0x66F0] =	vst v3  }
0xb8: {  	v3 =	vld.idx.msk [tilespmem:v59+s11+$0x0], vm14;
	_ =	sdelay $0x1  }
0xb9: {  	v5 =	vor.u32 $0x1, v59;
	_ =	sdelay $0x2  }
0xba: {  	v3 =	vnsel vm14, $0x4B189680, v3  }
0xbb: {  	[tilespmem:$0x6400] =	vst v3  }
0xbc: {  	v3 =	vld.idx.msk [tilespmem:v5+s11+$0x0], vm14;
	_ =	sdelay $0x1  }
0xbd: {  	v60 =	vor.u32 $0x2, v59;
	_ =	sdelay $0x2  }
0xbe: {  	v3 =	vnsel vm14, $0x4B189680, v3  }
0xbf: {  	[tilespmem:$0x6500] =	vst v3  }
0xc0: {  	v3 =	vld.idx.msk [tilespmem:v60+s11+$0x0], vm14;
	_ =	sdelay $0x1  }
0xc1: {  	v4 =	vor.u32 $0x3, v59  }
0xc2: {  	v61 =	vld [tilespmem:$0x6310];
	_ =	sdelay $0x1  }
0xc3: {  	v3 =	vnsel vm14, $0x4B189681, v3  }
0xc4: {  	[tilespmem:$0x6600] =	vst v3  }
0xc5: {  	v3 =	vld.idx.msk [tilespmem:v4+s11+$0x0], vm14  }
0xc6: {  	vm15 =	vlt.s32 v61, $0x1388  }
0xc7: {  	v62 =	vshll.u32 v61, $0x2;
	_ =	sdelay $0x2  }
0xc8: {  	v3 =	vnsel vm14, $0x4B189681, v3  }
0xc9: {  	[tilespmem:$0x6700] =	vst v3  }
0xca: {  	v3 =	vld.idx.msk [tilespmem:v62+s11+$0x0], vm15;
	_ =	sdelay $0x1  }
0xcb: {  	v5 =	vor.u32 $0x1, v62;
	_ =	sdelay $0x2  }
0xcc: {  	v3 =	vnsel vm15, $0x4B189680, v3  }
0xcd: {  	[tilespmem:$0x6410] =	vst v3  }
0xce: {  	v3 =	vld.idx.msk [tilespmem:v5+s11+$0x0], vm15;
	_ =	sdelay $0x1  }
0xcf: {  	v63 =	vor.u32 $0x2, v62;
	_ =	sdelay $0x2  }
0xd0: {  	v3 =	vnsel vm15, $0x4B189680, v3  }
0xd1: {  	[tilespmem:$0x6510] =	vst v3  }
0xd2: {  	v3 =	vld.idx.msk [tilespmem:v63+s11+$0x0], vm15;
	_ =	sdelay $0x1  }
0xd3: {  	v4 =	vor.u32 $0x3, v62;
	_ =	sdelay $0x2  }
0xd4: {  	v3 =	vnsel vm15, $0x4B189681, v3  }
0xd5: {  	[tilespmem:$0x6610] =	vst v3  }
0xd6: {  	v3 =	vld.idx.msk [tilespmem:v4+s11+$0x0], vm15;
	_ =	sdelay $0x4  }
0xd7: {  	v3 =	vnsel vm15, $0x4B189681, v3  }
0xd8: {  	[tilespmem:$0x6710] =	vst v3  }
0xd9: {  	[hbm4b:s5+s2] =	stream.linear.scatter [tilespmem:s13], [sflag:$0x1], $0xA0, $0x38;
	[tilespmem:$0x6780] =	vst v63  }
0xda: {  	_ =	swait.ge [sflag:s10], $0xA0  }
0xdb: {  	[sflag:s10] =	ssyncset.done $0x0  }
0xdc: {  	[sflag:s10] =	ssyncadd.s32 $0xFFFFFF60  }
0xdd: {  	[hbm4b:s6+s2] =	stream.linear.scatter [tilespmem:s14], [sflag:$0x1], $0xA0, $0x38;
	[tilespmem:$0x6780] =	vst v63  }
0xde: {  	_ =	swait.ge [sflag:s10], $0xA0  }
0xdf: {  	[sflag:s10] =	ssyncset.done $0x0  }
0xe0: {  	[sflag:s10] =	ssyncadd.s32 $0xFFFFFF60  }
0xe1: {  	[hbm4b:s7+s2] =	stream.linear.scatter [tilespmem:s15], [sflag:$0x1], $0xA0, $0x38;
	[tilespmem:$0x6780] =	vst v63  }
0xe2: {  	s17 =	sadd.s32 $0x1, s17;
	_ =	swait.ge [sflag:s10], $0xA0  }
0xe3: {  	p0 =	sne.s32 s17, s9;
	[sflag:s10] =	ssyncset.done $0x0  }
.Ltmp1:
0xe4: {  	[sflag:s10] =	ssyncadd.s32 $0xFFFFFF60;
	(pc) =	sbr.rel @p0 .LBB2_1-.Ltmp1, $4  }
0xe5: {  	[hbm4b:s8+s2] =	stream.linear.scatter [tilespmem:s16], [sflag:$0x1], $0xA0, $0x38;
	[tilespmem:$0x6780] =	vst v63  }
0xe6: {  	_ =	swait.ge [sflag:s10], $0xA0  }
0xe7: {  	[sflag:s10] =	ssyncset.done $0x0  }
0xe8: {  	[sflag:s10] =	ssyncadd.s32 $0xFFFFFF60  }
0xe9: {  	_ =	sfence.sel $0x180000  }
0xea: {  	[bflag:$0x0] =	sbarrier.arrive $0xFFFF  }
0xeb: {  	p0 =	sne.s32 s0, $0x0;
	_ =	strace $0x90000047  }
0xec: {  	s0 =	sadd.s32 @!p0 $0x100000, s1;
	[bflag:$0x2] =	sbarrier.arrive $0xFFFF  }
0xed: {  	[sflag:s0] =	ssyncadd.tile.s32 @!p0 $0x1;
	_ =	shalt  }
.Lfunc_end2:
_tile_overlayer_lowered:
.L_overlay_start_2:
0xee: {  	(tag) =	ssettag $0x2  }
0xef: {  	s0 =	rddreg [dreg:$0x0];
	s2 =	stileid.u32  }
0xf0: {  	s1 =	rddreg [dreg:$0x1];
	p0 =	sne.s32 s2, $0x0  }
0xf1: {  	s3 =	rddreg [dreg:$0x2];
	[bflag:$0x3] =	sbarrier.arrive $0xFFFF;
	s2 =	simm.s32 @!p0 $0x1C01  }
0xf2: {  	[timem:s3], [sflag:s2] =	dma.local @!p0 [hbm:s0], s1  }
0xf3: {  	s0 =	simm.s32 @!p0 $0x1  }
0xf4: {  	_ =	swait.ge @!p0 [sflag:s0], s1  }
0xf5: {  	s1 =	ssub.s32 @!p0 $0x0, s1;
	[sflag:s0] =	ssyncset.done @!p0 $0x0  }
0xf6: {  	[sflag:s0] =	ssyncadd.s32 @!p0 s1  }
0xf7: {  	[bflag:$0x3] =	sbarrier.arrive $0xFFFF  }
0xf8: {  	_ =	shalt  }

// kernel: kernel.9.cloned.1.call-start
scs
__scs_entry_jumppad:
0x0: {  	(pc) =	sbr.rel $0x88, $3  }
0x1: {  	(tag) =	ssettag $0x0;
	lr =	simm.s32 $0x1  }
0x2: {  	[smem:$0x3F9F] =	sst lr;
	_ =	strace $0xD0000000  }
0x3: {  	_ = 	snop  }
0x4: {  	_ = 	snop  }
0x5: {  	_ = 	snop  }
0x6: {  	_ = 	snop  }
0x7: {  	_ = 	snop  }
__scs_overlays_trampoline_lowered:
0x8: {  	[smem:$0x3FAE] =	sst s0  }
0x9: {  	[smem:$0x3FAF] =	sst s1  }
0xa: {  	[smem:$0x3FB0] =	sst s2  }
0xb: {  	[smem:$0x3FB1] =	sst s3  }
0xc: {  	[smem:$0x3FB2] =	sst s4  }
0xd: {  	[smem:$0x3FB3] =	sst s5  }
0xe: {  	[smem:$0x3FB4] =	sst s6  }
0xf: {  	[smem:$0x3FB5] =	sst s7  }
0x10: {  	[smem:$0x3FB6] =	sst s8  }
0x11: {  	[smem:$0x3FB7] =	sst s9;
	s0 =	simm.s32 @!p0 $0x0  }
0x12: {  	s1 =	sld [smem:$0x3F9D];
	s0 =	simm.s32 @p0 $0x1  }
0x13: {  	[smem:$0x3FB8] =	sst s0;
	s0 =	simm.s32 @!p1 $0x0  }
0x14: {  	s2 =	sld [smem:$0x3F9C];
	s0 =	simm.s32 @p1 $0x1  }
0x15: {  	[smem:$0x3FB9] =	sst s0;
	s0 =	simm.s32 @!p2 $0x0  }
0x16: {  	s3 =	sld [smem:$0x3FDB];
	s0 =	simm.s32 @p2 $0x1  }
0x17: {  	s4 =	simm.s32 $0x1BF5;
	[smem:$0x3FBB] =	sst s0  }
0x18: {  	s0 =	sld [smem:$0x3F9E];
	_ =	swait.ge [sflag:s4], $0x0  }
0x19: {  	s7 =	sld [smem:$0x3F9F]  }
0x1a: {  	s8 =	sadd.s32 $0xFFFFE003, lr  }
0x1b: {  	s9 =	sadd.s32 $0xFFFFFEF7, lr;
	s5 =	simm.s32 $0xFFFFFFFF;
	p2 =	slt.u32 s8, $0xFFFFF086  }
0x1c: {  	p1 =	slt.u32 s9, $0xF7A;
	s5 =	simm.s32 @!p2 $0x0  }
0x1d: {  	s5 =	simm.s32 @p1 $0x1;
	p0 =	seq.s32 s7, s2  }
0x1e: {  	s7 =	smul.u32 @!p0 $0xF7A, s2;
	p2 =	seq.s32 @!p0 s5, $0x0  }
0x1f: {  	s9 =	smul.u32 $0xF7A, s1;
	s8 =	simm.s32 @!p0 $0x1BF5;
	p2 =	por !p2, p0  }
0x20: {  	[sflag:s8] =	ssyncset.s32 @!p0 $0xFFFFF086;
	s6 =	sadd.s32 @!p0 s3, s7;
	s7 =	simm.s32 @!p0 $0x108  }
0x21: {  	s3 =	sadd.s32 s3, s9;
	s6 =	sadd.s32 @!p0 $0x88, s6;
	s7 =	simm.s32 @p2 $0x1082  }
0x22: {  	[simem:s7], [sflag:s8] =	dma.local @!p0 [hbm:s6], $0xF7A  }
0x23: {  	s9 =	sor.u32 $0xD0000000, s2;
	s6 =	simm.s32 $0x108;
	_ =	swait.ge @!p0 [sflag:s8], $0x0  }
0x24: {  	s3 =	sadd.s32 $0x88, s3;
	s6 =	simm.s32 @!p1 $0x1082;
	[sflag:s4] =	ssyncset.s32 $0xFFFFF086  }
0x25: {  	[simem:s6], [sflag:s4] =	dma.local [hbm:s3], $0xF7A  }
0x26: {  	[smem:$0x3F9F] =	sst s1;
	(tag) =	ssettag s2;
	_ =	strace s9  }
0x27: {  	s1 =	sld [smem:$0x3FAF]  }
0x28: {  	s2 =	sld [smem:$0x3FB0]  }
0x29: {  	s4 =	sld [smem:$0x3FB2]  }
0x2a: {  	p0 =	seq.s32 s5, $0x0;
	s5 =	sld [smem:$0x3FB3]  }
0x2b: {  	s6 =	sld [smem:$0x3FB4]  }
0x2c: {  	s7 =	sld [smem:$0x3FB5]  }
0x2d: {  	s3 =	simm.s32 $0x108;
	s8 =	sld [smem:$0x3FB6]  }
0x2e: {  	s3 =	simm.s32 @!p0 $0x1082;
	s9 =	sld [smem:$0x3FB7]  }
0x2f: {  	lr =	sadd.s32 s0, s3;
	s0 =	sld [smem:$0x3FAE]  }
0x30: {  	s3 =	sld [smem:$0x3FB1]  }
0x31: {  	[smem:$0x3FBA] =	sst s10  }
0x32: {  	s10 =	sld [smem:$0x3FB8];
	_ =	sdelay $0x3  }
0x33: {  	p0 =	seq.s32 s10, $0x1;
	s10 =	sld [smem:$0x3FBA];
	_ =	sdelay $0x3  }
0x34: {  	[smem:$0x3FBA] =	sst s10  }
0x35: {  	s10 =	sld [smem:$0x3FB9];
	_ =	sdelay $0x3  }
0x36: {  	p1 =	seq.s32 s10, $0x1;
	s10 =	sld [smem:$0x3FBA];
	_ =	sdelay $0x3  }
0x37: {  	[smem:$0x3FBA] =	sst s10  }
0x38: {  	s10 =	sld [smem:$0x3FBB]  }
0x39: {  	_ = 	snop;
	(pc) =	sbr.ind lr, $3  }
0x3a: {  	_ = 	snop  }
0x3b: {  	_ = 	snop  }
0x3c: {  	p2 =	seq.s32 s10, $0x1;
	s10 =	sld [smem:$0x3FBA]  }
0x3d: {  	_ =	shalt  }
0x3e: {  	_ =	shalt  }
0x3f: {  	_ =	shalt  }
0x40: {  	_ =	shalt  }
0x41: {  	_ =	shalt  }
0x42: {  	_ =	shalt  }
0x43: {  	_ =	shalt  }
0x44: {  	_ =	shalt  }
0x45: {  	_ =	shalt  }
0x46: {  	_ =	shalt  }
0x47: {  	_ =	shalt  }
0x48: {  	_ =	shalt  }
0x49: {  	_ =	shalt  }
0x4a: {  	_ =	shalt  }
0x4b: {  	_ =	shalt  }
0x4c: {  	_ =	shalt  }
0x4d: {  	_ =	shalt  }
0x4e: {  	_ =	shalt  }
0x4f: {  	_ =	shalt  }
0x50: {  	_ =	shalt  }
0x51: {  	_ =	shalt  }
0x52: {  	_ =	shalt  }
0x53: {  	_ =	shalt  }
0x54: {  	_ =	shalt  }
0x55: {  	_ =	shalt  }
0x56: {  	_ =	shalt  }
0x57: {  	_ =	shalt  }
0x58: {  	_ =	shalt  }
0x59: {  	_ =	shalt  }
0x5a: {  	_ =	shalt  }
0x5b: {  	_ =	shalt  }
0x5c: {  	_ =	shalt  }
0x5d: {  	_ =	shalt  }
0x5e: {  	_ =	shalt  }
0x5f: {  	_ =	shalt  }
0x60: {  	_ =	shalt  }
0x61: {  	_ =	shalt  }
0x62: {  	_ =	shalt  }
0x63: {  	_ =	shalt  }
0x64: {  	_ =	shalt  }
0x65: {  	_ =	shalt  }
0x66: {  	_ =	shalt  }
0x67: {  	_ =	shalt  }
0x68: {  	_ =	shalt  }
0x69: {  	_ =	shalt  }
0x6a: {  	_ =	shalt  }
0x6b: {  	_ =	shalt  }
0x6c: {  	_ =	shalt  }
0x6d: {  	_ =	shalt  }
0x6e: {  	_ =	shalt  }
0x6f: {  	_ =	shalt  }
0x70: {  	_ =	shalt  }
0x71: {  	_ =	shalt  }
0x72: {  	_ =	shalt  }
0x73: {  	_ =	shalt  }
0x74: {  	_ =	shalt  }
0x75: {  	_ =	shalt  }
0x76: {  	_ =	shalt  }
0x77: {  	_ =	shalt  }
0x78: {  	_ =	shalt  }
0x79: {  	_ =	shalt  }
0x7a: {  	_ =	shalt  }
0x7b: {  	_ =	shalt  }
0x7c: {  	_ =	shalt  }
0x7d: {  	_ =	shalt  }
0x7e: {  	_ =	shalt  }
0x7f: {  	_ =	shalt  }
0x80: {  	_ =	shalt  }
0x81: {  	_ =	shalt  }
0x82: {  	_ =	shalt  }
0x83: {  	_ =	shalt  }
0x84: {  	_ =	shalt  }
0x85: {  	_ =	shalt  }
0x86: {  	_ =	shalt  }
0x87: {  	_ =	shalt  }
.Lfunc_end0:
.L_simem_size_0:
called_computation.1_lowered:
.L_overlay_start_0:
0x88: {  	s2 =	sld [smem:$0x3FD9]  }
0x89: {  	s3 =	sld [smem:$0x3FFE];
	_ =	sdelay $0x1  }
0x8a: {  	s1 =	srdreg.scid  }
0x8b: {  	s0 =	sand.u32 $0x1, s1  }
0x8c: {  	s17 =	sshll.u32 s0, $0xA;
	s2 =	sadd.s32 s3, s2  }
0x8d: {  	s2 =	sadd.s32 s2, s17  }
0x8e: {  	[smem:$0x3FC6] =	sst s2  }
0x8f: {  	_ = 	snop  }
0x90: {  	s2 =	sld [smem:$0x3FD0];
	(tm) =	ssettm $0x1  }
0x91: {  	s18 =	sld [smem:$0x3FFB];
	_ =	sdelay $0x3  }
0x92: {  	_ =	strace s18  }
0x93: {  	s3 =	sld [smem:$0x3FFC];
	_ =	sdelay $0x3  }
0x94: {  	_ =	strace s3  }
0x95: {  	s3 =	sld [smem:$0x3FFD];
	_ =	sdelay $0x3  }
0x96: {  	_ =	strace s3  }
0x97: {  	_ =	strace $0x8FFFFFFF  }
0x98: {  	s19 =	sld [smem:$0x3FDB];
	_ =	sdelay $0x1  }
0x99: {  	s4 =	simm.s32 $_scs_section_size  }
0x9a: {  	s5 =	simm.s32 $_size__tile_overlayer_lowered;
	s6 =	simm.s32 $_tile_overlayer_lowered  }
0x9b: {  	s22 =	simm.s32 $0x1BFF;
	s21 =	sshll.u32 s6, $0x1;
	s3 =	sadd.s32 s4, s19  }
0x9c: {  	s7 =	simm.s32 $0x0;
	s20 =	sshll.u32 s5, $0x1;
	s5 =	sadd.s32 s21, s3  }
0x9d: {  	[timem:s7], [sflag:s22] =	dma.local [hbm:s5], s20  }
0x9e: {  	_ =	swait.ge [sflag:s22], s20  }
0x9f: {  	s4 =	ssub.s32 $0x0, s20;
	[sflag:s22] =	ssyncset.done $0x0  }
0xa0: {  	[sflag:s22] =	ssyncadd.s32 s4;
	_ =	sdelay $0x1  }
0xa1: {  	s23 =	simm.s32 $0x1B8B  }
0xa2: {  	_ =	swait.ge [sflag:s23], $0x1  }
0xa3: {  	[sflag:s23] =	ssyncset.done $0x0  }
0xa4: {  	s25 =	simm.s32 $0x1B8E;
	s24 =	sld [smem:$0x3FFE];
	[sflag:s23] =	ssyncadd.s32 $0xFFFFFFFF  }
0xa5: {  	s26 =	simm.s32 $execute0_lowered;
	[smem:$0x3FD2] =	sst s25  }
0xa6: {  	s5 =	sshll.u32 s26, $0x1;
	_ =	strace $0x80000049;
	[dreg:$0x1] =	wrdreg $0xFFFFFFFF  }
0xa7: {  	s28 =	simm.s32 $_size_execute0_lowered;
	s3 =	sadd.s32 s3, s5;
	[dreg:$0x0] =	wrdreg $0x0  }
0xa8: {  	s5 =	sshll.u32 s28, $0x1;
	[dreg:$0x2] =	wrdreg s3  }
0xa9: {  	[dreg:$0x3] =	wrdreg s5  }
0xaa: {  	[dreg:$0x4] =	wrdreg $0xC0  }
0xab: {  	_ =	task [dreg:s7], $0x5FFFF  }
0xac: {  	[dreg:$0x1] =	wrdreg $0xFFFFFFFF  }
0xad: {  	[dreg:$0x0] =	wrdreg $0x60  }
0xae: {  	[dreg:$0x2] =	wrdreg s24  }
0xaf: {  	[dreg:$0x3] =	wrdreg s2  }
0xb0: {  	[dreg:$0x4] =	wrdreg $0x9  }
0xb1: {  	_ =	task.clear_ibuf [dreg:s7], $0x5FFFF;
	_ =	strace $0x90000049  }
0xb2: {  	s29 =	simm.s32 $0x9;
	_ =	strace $0x8000004B  }
0xb3: {  	_ =	swait.ge [sflag:s29], $0x1  }
0xb4: {  	[sflag:s29] =	ssyncadd.s32 $0xFFFFFFFF  }
0xb5: {  	_ =	strace $0x9000004B  }
0xb6: {  	_ =	sfence  }
0xb7: {  	s30 =	sld [smem:$0x0];
	_ =	sdelay $0x2  }
0xb8: {  	s31 =	sshll.u32 s1, $0xD;
	s1 =	sshrl.u32 s1, $0x2  }
0xb9: {  	s3 =	sand.u32 $0x4000, s31;
	s1 =	sadd.s32 s1, s30  }
0xba: {  	s0 =	sor.u32 s3, s0;
	s1 =	sshll.u32 s1, $0x11  }
0xbb: {  	s0 =	sor.u32 s1, s0  }
0xbc: {  	s0 =	sadd.s32 $0x8F2B, s0  }
0xbd: {  	[sflag:s0] =	ssyncadd.remote.s32 $0x1  }
0xbe: {  	_ =	sfence.sel $0xFFFF  }
0xbf: {  	[dreg:$0x0] =	wrdreg $0xFFFFFFFF;
	(pc) =	sbr.abs _section_cstart, $3  }
0xc0: {  	[dreg:$0x1] =	wrdreg $0xFFFFFFFF  }
0xc1: {  	_ =	task.clear_ibuf [dreg:s7], $0x2FFFF;
	_ =	strace $0x9FFFFFFF  }
0xc2: {  	(tm) =	ssettm $0x7FFFFFFF  }
0xc3: {  	_ =	shalt  }
tec
execute0_lowered:
.L_overlay_start_1:
0x0: {  	(tag) =	ssettag $0x1  }
0x1: {  	s5 =	rddreg [dreg:$0x0]  }
0x2: {  	s9 =	rddreg [dreg:$0x1]  }
0x3: {  	s0 =	rddreg [dreg:$0x2]  }
0x4: {  	s3 =	srdreg.scid;
	s1 =	stileid.u32  }
0x5: {  	s2 =	simm.s32 $0x0;
	s11 =	sand.u32 $0x1, s3;
	s31 =	sshll.u32 s1, $0x1  }
0x6: {  	s4 =	simm.s32 $0x1;
	[smem:$0x7FF] =	sst s2;
	s10 =	sor.u32 s11, s31  }
0x7: {  	s3 =	sadd.s32 $0x1A00, s5;
	_ =	strace $0x8000004A;
	s12 =	smul.u32 $0x14, s10  }
0x8: {  	[tilespmem:s2], [sflag:$0x1] =	stream.linear.gather [hbm4b:s3+s2], $0x1400, $0x38;
	[tilespmem:$0x1700] =	vst v63  }
0x9: {  	_ =	swait.ge [sflag:s4], $0x1400  }
0xa: {  	s7 =	sadd.s32 s12, s5;
	[sflag:s4] =	ssyncset.done $0x0  }
0xb: {  	s6 =	simm.s32 $0x1400;
	s5 =	sadd.s32 $0x2400, s7;
	[sflag:s4] =	ssyncadd.s32 $0xFFFFEC00  }
0xc: {  	[tilespmem:s6], [sflag:$0x1] =	stream.linear.gather [hbm4b:s5+s2], $0xA0, $0x38;
	[tilespmem:$0x1700] =	vst v63  }
0xd: {  	_ =	swait.ge [sflag:s4], $0xA0  }
0xe: {  	[sflag:s4] =	ssyncset.done $0x0  }
0xf: {  	s8 =	simm.s32 $0x1500;
	s7 =	sadd.s32 $0x1600, s7;
	[sflag:s4] =	ssyncadd.s32 $0xFFFFFF60  }
0x10: {  	[tilespmem:s8], [sflag:$0x1] =	stream.linear.gather [hbm4b:s7+s2], $0xA0, $0x38;
	[tilespmem:$0x1700] =	vst v63  }
0x11: {  	_ =	swait.ge [sflag:s4], $0xA0  }
0x12: {  	[sflag:s4] =	ssyncset.done $0x0  }
0x13: {  	[sflag:s4] =	ssyncadd.s32 $0xFFFFFF60  }
0x14: {  	v0 =	vld [tilespmem:$0x1400];
	_ =	sdelay $0x5  }
0x15: {  	v1 =	vld [tilespmem:$0x1410]  }
0x16: {  	v2 =	vld [tilespmem:$0x1500]  }
0x17: {  	v0 =	vld.idx.msk [tilespmem:v0+s2+$0x0], $0xffff;
	_ =	sdelay $0x4  }
0x18: {  	v0 =	vmul.f32 v2, v0  }
0x19: {  	v47 =	vld [tilespmem:$0x1420]  }
0x1a: {  	v48 =	vld [tilespmem:$0x1510];
	[tilespmem:$0x1600] =	vst v0  }
0x1b: {  	v1 =	vld.idx.msk [tilespmem:v1+s2+$0x0], $0xffff;
	_ =	sdelay $0x4  }
0x1c: {  	v1 =	vmul.f32 v48, v1  }
0x1d: {  	v49 =	vld [tilespmem:$0x1430]  }
0x1e: {  	v50 =	vld [tilespmem:$0x1520];
	[tilespmem:$0x1610] =	vst v1  }
0x1f: {  	v0 =	vld.idx.msk [tilespmem:v47+s2+$0x0], $0xffff;
	_ =	sdelay $0x4  }
0x20: {  	v0 =	vmul.f32 v50, v0  }
0x21: {  	v51 =	vld [tilespmem:$0x1440]  }
0x22: {  	v52 =	vld [tilespmem:$0x1530];
	[tilespmem:$0x1620] =	vst v0  }
0x23: {  	v1 =	vld.idx.msk [tilespmem:v49+s2+$0x0], $0xffff;
	_ =	sdelay $0x4  }
0x24: {  	v1 =	vmul.f32 v52, v1  }
0x25: {  	v53 =	vld [tilespmem:$0x1450]  }
0x26: {  	v54 =	vld [tilespmem:$0x1540];
	[tilespmem:$0x1630] =	vst v1  }
0x27: {  	v0 =	vld.idx.msk [tilespmem:v51+s2+$0x0], $0xffff;
	_ =	sdelay $0x4  }
0x28: {  	v0 =	vmul.f32 v54, v0  }
0x29: {  	v55 =	vld [tilespmem:$0x1460]  }
0x2a: {  	v56 =	vld [tilespmem:$0x1550];
	[tilespmem:$0x1640] =	vst v0  }
0x2b: {  	v1 =	vld.idx.msk [tilespmem:v53+s2+$0x0], $0xffff;
	_ =	sdelay $0x4  }
0x2c: {  	v1 =	vmul.f32 v56, v1  }
0x2d: {  	v57 =	vld [tilespmem:$0x1470]  }
0x2e: {  	v58 =	vld [tilespmem:$0x1560];
	[tilespmem:$0x1650] =	vst v1  }
0x2f: {  	v0 =	vld.idx.msk [tilespmem:v55+s2+$0x0], $0xffff;
	_ =	sdelay $0x4  }
0x30: {  	v0 =	vmul.f32 v58, v0  }
0x31: {  	v59 =	vld [tilespmem:$0x1480]  }
0x32: {  	v60 =	vld [tilespmem:$0x1570];
	[tilespmem:$0x1660] =	vst v0  }
0x33: {  	v1 =	vld.idx.msk [tilespmem:v57+s2+$0x0], $0xffff;
	_ =	sdelay $0x4  }
0x34: {  	v1 =	vmul.f32 v60, v1  }
0x35: {  	v61 =	vld [tilespmem:$0x1490]  }
0x36: {  	v62 =	vld [tilespmem:$0x1580];
	[tilespmem:$0x1670] =	vst v1  }
0x37: {  	v0 =	vld.idx.msk [tilespmem:v59+s2+$0x0], $0xffff;
	_ =	sdelay $0x4  }
0x38: {  	v0 =	vmul.f32 v62, v0;
	_ =	sdelay $0x1  }
0x39: {  	v63 =	vld [tilespmem:$0x1590];
	[tilespmem:$0x1680] =	vst v0  }
0x3a: {  	v0 =	vld.idx.msk [tilespmem:v61+s2+$0x0], $0xffff;
	_ =	sdelay $0x2  }
0x3b: {  	s11 =	ssub.s32 $0x2, s11  }
0x3c: {  	s13 =	sshrl.u32 s11, $0x1  }
0x3d: {  	p0 =	seq.s32 s10, $0x1F;
	s13 =	ssub.s32 s11, s13;
	v0 =	vmul.f32 v63, v0  }
0x3e: {  	s10 =	simm.s32 @p0 $0x0;
	s11 =	simm.s32 @p0 $0x1600;
	s13 =	smax.u32 s13, $0x1  }
0x3f: {  	s9 =	sadd.s32 s9, s12;
	s12 =	simm.s32 @p0 $0x1;
	s14 =	sadd.s32 $0xFFFFFFFF, s13;
	[tilespmem:$0x1690] =	vst v0  }
0x40: {  	[hbm4b:s9+s10] =	stream.linear.scatter @p0 [tilespmem:s11], [sflag:$0x1], $0x28, $0x38;
	[tilespmem:$0x1700] =	vst v63  }
0x41: {  	p1 =	sne.s32 s14, $0x0;
	_ =	swait.ge @p0 [sflag:s12], $0x28  }
.Ltmp0:
0x42: {  	s15 =	simm.s32 @!p0 $0x0;
	[sflag:s12] =	ssyncset.done @p0 $0x0;
	(pc) =	sbr.rel @!p1 .LBB2_2-.Ltmp0, $4  }
0x43: {  	s16 =	simm.s32 @!p0 $0x1600;
	s13 =	simm.s32 @!p0 $0x1;
	[sflag:s12] =	ssyncadd.s32 @p0 $0xFFFFFFD8  }
0x44: {  	[hbm4b:s9+s15] =	stream.linear.scatter @!p0 [tilespmem:s16], [sflag:$0x1], $0xA0, $0x38;
	[tilespmem:$0x1700] =	vst v63  }
0x45: {  	_ =	swait.ge @!p0 [sflag:s13], $0xA0  }
0x46: {  	[sflag:s13] =	ssyncset.done @!p0 $0x0  }
.LBB2_1:
0x47: {  	s14 =	sadd.s32 $0xFFFFFFFF, s14;
	[sflag:s13] =	ssyncadd.s32 @!p0 $0xFFFFFF60  }
0x48: {  	[tilespmem:s2], [sflag:$0x1] =	stream.linear.gather [hbm4b:s3+s2], $0x1400, $0x38;
	[tilespmem:$0x1700] =	vst v63  }
0x49: {  	p1 =	sne.s32 s14, $0x0;
	_ =	swait.ge [sflag:s4], $0x1400  }
0x4a: {  	[sflag:s4] =	ssyncset.done $0x0  }
0x4b: {  	[sflag:s4] =	ssyncadd.s32 $0xFFFFEC00  }
0x4c: {  	[tilespmem:s6], [sflag:$0x1] =	stream.linear.gather [hbm4b:s5+s2], $0xA0, $0x38;
	[tilespmem:$0x1700] =	vst v63  }
0x4d: {  	_ =	swait.ge [sflag:s4], $0xA0  }
0x4e: {  	[sflag:s4] =	ssyncset.done $0x0  }
0x4f: {  	[sflag:s4] =	ssyncadd.s32 $0xFFFFFF60  }
0x50: {  	[tilespmem:s8], [sflag:$0x1] =	stream.linear.gather [hbm4b:s7+s2], $0xA0, $0x38;
	[tilespmem:$0x1700] =	vst v63  }
0x51: {  	_ =	swait.ge [sflag:s4], $0xA0  }
0x52: {  	[sflag:s4] =	ssyncset.done $0x0  }
0x53: {  	[sflag:s4] =	ssyncadd.s32 $0xFFFFFF60  }
0x54: {  	v0 =	vld [tilespmem:$0x1400];
	_ =	sdelay $0x6  }
0x55: {  	v1 =	vld [tilespmem:$0x1410]  }
0x56: {  	v0 =	vld.idx.msk [tilespmem:v0+s2+$0x0], $0xffff  }
0x57: {  	v2 =	vld [tilespmem:$0x1500];
	_ =	sdelay $0x4  }
0x58: {  	v0 =	vmul.f32 v2, v0;
	_ =	sdelay $0x1  }
0x59: {  	[tilespmem:$0x1600] =	vst v0;
	v0 =	vld [tilespmem:$0x1420]  }
0x5a: {  	v1 =	vld.idx.msk [tilespmem:v1+s2+$0x0], $0xffff  }
0x5b: {  	v2 =	vld [tilespmem:$0x1510];
	_ =	sdelay $0x4  }
0x5c: {  	v1 =	vmul.f32 v2, v1;
	_ =	sdelay $0x1  }
0x5d: {  	[tilespmem:$0x1610] =	vst v1;
	v1 =	vld [tilespmem:$0x1430]  }
0x5e: {  	v0 =	vld.idx.msk [tilespmem:v0+s2+$0x0], $0xffff  }
0x5f: {  	v2 =	vld [tilespmem:$0x1520];
	_ =	sdelay $0x4  }
0x60: {  	v0 =	vmul.f32 v2, v0;
	_ =	sdelay $0x1  }
0x61: {  	[tilespmem:$0x1620] =	vst v0;
	v0 =	vld [tilespmem:$0x1440]  }
0x62: {  	v1 =	vld.idx.msk [tilespmem:v1+s2+$0x0], $0xffff  }
0x63: {  	v2 =	vld [tilespmem:$0x1530];
	_ =	sdelay $0x4  }
0x64: {  	v1 =	vmul.f32 v2, v1;
	_ =	sdelay $0x1  }
0x65: {  	[tilespmem:$0x1630] =	vst v1;
	v1 =	vld [tilespmem:$0x1450]  }
0x66: {  	v0 =	vld.idx.msk [tilespmem:v0+s2+$0x0], $0xffff  }
0x67: {  	v2 =	vld [tilespmem:$0x1540];
	_ =	sdelay $0x4  }
0x68: {  	v0 =	vmul.f32 v2, v0;
	_ =	sdelay $0x1  }
0x69: {  	[tilespmem:$0x1640] =	vst v0;
	v0 =	vld [tilespmem:$0x1460]  }
0x6a: {  	v1 =	vld.idx.msk [tilespmem:v1+s2+$0x0], $0xffff  }
0x6b: {  	v2 =	vld [tilespmem:$0x1550];
	_ =	sdelay $0x4  }
0x6c: {  	v1 =	vmul.f32 v2, v1;
	_ =	sdelay $0x1  }
0x6d: {  	[tilespmem:$0x1650] =	vst v1;
	v1 =	vld [tilespmem:$0x1470]  }
0x6e: {  	v0 =	vld.idx.msk [tilespmem:v0+s2+$0x0], $0xffff  }
0x6f: {  	v2 =	vld [tilespmem:$0x1560];
	_ =	sdelay $0x4  }
0x70: {  	v0 =	vmul.f32 v2, v0;
	_ =	sdelay $0x1  }
0x71: {  	[tilespmem:$0x1660] =	vst v0;
	v0 =	vld [tilespmem:$0x1480]  }
0x72: {  	v1 =	vld.idx.msk [tilespmem:v1+s2+$0x0], $0xffff  }
0x73: {  	v2 =	vld [tilespmem:$0x1570];
	_ =	sdelay $0x4  }
0x74: {  	v1 =	vmul.f32 v2, v1;
	_ =	sdelay $0x1  }
0x75: {  	[tilespmem:$0x1670] =	vst v1;
	v1 =	vld [tilespmem:$0x1490]  }
0x76: {  	v0 =	vld.idx.msk [tilespmem:v0+s2+$0x0], $0xffff  }
0x77: {  	v2 =	vld [tilespmem:$0x1580];
	_ =	sdelay $0x4  }
0x78: {  	v0 =	vmul.f32 v2, v0;
	_ =	sdelay $0x1  }
0x79: {  	[tilespmem:$0x1680] =	vst v0  }
0x7a: {  	v0 =	vld.idx.msk [tilespmem:v1+s2+$0x0], $0xffff  }
0x7b: {  	v1 =	vld [tilespmem:$0x1590];
	_ =	sdelay $0x4  }
0x7c: {  	v0 =	vmul.f32 v1, v0;
	_ =	sdelay $0x1  }
0x7d: {  	[tilespmem:$0x1690] =	vst v0  }
0x7e: {  	[hbm4b:s9+s10] =	stream.linear.scatter @p0 [tilespmem:s11], [sflag:$0x1], $0x28, $0x38;
	[tilespmem:$0x1700] =	vst v63  }
0x7f: {  	_ =	swait.ge @p0 [sflag:s12], $0x28  }
.Ltmp1:
0x80: {  	[sflag:s12] =	ssyncset.done @p0 $0x0;
	(pc) =	sbr.rel @p1 .LBB2_1-.Ltmp1, $4  }
0x81: {  	[sflag:s12] =	ssyncadd.s32 @p0 $0xFFFFFFD8  }
0x82: {  	[hbm4b:s9+s15] =	stream.linear.scatter @!p0 [tilespmem:s16], [sflag:$0x1], $0xA0, $0x38;
	[tilespmem:$0x1700] =	vst v63  }
0x83: {  	_ =	swait.ge @!p0 [sflag:s13], $0xA0  }
0x84: {  	[sflag:s13] =	ssyncset.done @!p0 $0x0  }
.LBB2_2:
0x85: {  	[sflag:s13] =	ssyncadd.s32 @!p0 $0xFFFFFF60  }
0x86: {  	_ =	sfence.sel $0x180000  }
0x87: {  	[bflag:$0x0] =	sbarrier.arrive $0xFFFF  }
0x88: {  	p0 =	sne.s32 s1, $0x0;
	_ =	strace $0x9000004A  }
0x89: {  	s0 =	sadd.s32 @!p0 $0x100000, s0;
	[bflag:$0x2] =	sbarrier.arrive $0xFFFF  }
0x8a: {  	[sflag:s0] =	ssyncadd.tile.s32 @!p0 $0x1;
	_ =	shalt  }
.Lfunc_end2:
_tile_overlayer_lowered:
.L_overlay_start_2:
0x8b: {  	(tag) =	ssettag $0x2  }
0x8c: {  	s0 =	rddreg [dreg:$0x0];
	s2 =	stileid.u32  }
0x8d: {  	s1 =	rddreg [dreg:$0x1];
	p0 =	sne.s32 s2, $0x0  }
0x8e: {  	s3 =	rddreg [dreg:$0x2];
	[bflag:$0x3] =	sbarrier.arrive $0xFFFF;
	s2 =	simm.s32 @!p0 $0x1C01  }
0x8f: {  	[timem:s3], [sflag:s2] =	dma.local @!p0 [hbm:s0], s1  }
0x90: {  	s0 =	simm.s32 @!p0 $0x1  }
0x91: {  	_ =	swait.ge @!p0 [sflag:s0], s1  }
0x92: {  	s1 =	ssub.s32 @!p0 $0x0, s1;
	[sflag:s0] =	ssyncset.done @!p0 $0x0  }
0x93: {  	[sflag:s0] =	ssyncadd.s32 @!p0 s1  }
0x94: {  	[bflag:$0x3] =	sbarrier.arrive $0xFFFF  }
0x95: {  	_ =	shalt  }

</sc_bundles>
